<compile_context>
chip_gen: v7x
topology: tpu7x:2x2x1
jax: 0.10.2.dev20260603
libtpu: 0.0.44.dev20260713+nightly
codegen_flags: <defaults>
</compile_context>

<pallas_src>
import functools

import jax
import jax.numpy as jnp
from jax import lax
from jax.experimental import pallas as pl
from jax.experimental.pallas import tpu as pltpu
from jax.experimental.pallas import tpu_sc as plsc

B = 4096
D_MOVIE = 64
D_OV = 384
G = 4
GENRE_VOCAB = 32
DG = 32
DC = 32
HIDDEN = 64
RANK = 64
D_IN = D_MOVIE + DG + DC + D_OV

NC = 2
NS = 16
NW = NC * NS
BPW = B // NW


def _mesh():
  return plsc.VectorSubcoreMesh(
      core_axis_name="c", subcore_axis_name="s", num_cores=NC, num_subcores=NS)


_PROJ_BLK = 2000
_PROJ_W = 128


def _tc_movie_proj(movie_table, w1m_pad):
  n = movie_table.shape[0]

  def body(mt_ref, w_ref, out_ref):
    out_ref[...] = jnp.dot(mt_ref[...], w_ref[...],
                           preferred_element_type=jnp.float32)

  bs = pl.BlockSpec
  return pl.pallas_call(
      body,
      grid=(n // _PROJ_BLK,),
      in_specs=[
          bs((_PROJ_BLK, D_MOVIE), lambda i: (i, 0)),
          bs((D_MOVIE, _PROJ_W), lambda i: (0, 0)),
      ],
      out_specs=bs((_PROJ_BLK, _PROJ_W), lambda i: (i, 0)),
      out_shape=jax.ShapeDtypeStruct((n, _PROJ_W), jnp.float32),
  )(movie_table, w1m_pad)


def _sc_gather_a(x, ov_emb, movie_proj):

  @functools.partial(
      pl.kernel,
      out_type=(
          jax.ShapeDtypeStruct((B, D_OV), jnp.float32),
          jax.ShapeDtypeStruct((B, _PROJ_W), jnp.float32),
      ),
      mesh=_mesh(),
      scratch_types=[
          pltpu.VMEM((BPW,), jnp.int32),
          pltpu.VMEM((BPW, D_OV), jnp.float32),
          pltpu.VMEM((BPW, _PROJ_W), jnp.float32),
          pltpu.SemaphoreType.DMA,
          pltpu.SemaphoreType.DMA,
      ],
  )
  def k(x_h, ov_h, mp_h, out_ov, out_mp, idx_v, ov_v, mp_v, sem_ov, sem_mp):
    wid = lax.axis_index("s") * NC + lax.axis_index("c")
    base = wid * BPW
    pltpu.sync_copy(x_h.at[pl.ds(base, BPW)], idx_v)
    cp_ov = pltpu.async_copy(ov_h.at[idx_v], ov_v, sem_ov)
    cp_mp = pltpu.async_copy(mp_h.at[idx_v], mp_v, sem_mp)
    cp_mp.wait()
    pltpu.sync_copy(mp_v, out_mp.at[pl.ds(base, BPW)])
    cp_ov.wait()
    pltpu.sync_copy(ov_v, out_ov.at[pl.ds(base, BPW)])

  return k(x, ov_emb, movie_proj)


def _sc_gather_b(x, genres_flat, coll, emb_collection):

  @functools.partial(
      pl.kernel,
      out_type=(
          jax.ShapeDtypeStruct((B, DC), jnp.float32),
          jax.ShapeDtypeStruct((B,), jnp.int32),
          jax.ShapeDtypeStruct((B,), jnp.int32),
          jax.ShapeDtypeStruct((B,), jnp.int32),
          jax.ShapeDtypeStruct((B,), jnp.int32),
      ),
      mesh=_mesh(),
      compiler_params=pltpu.CompilerParams(use_tc_tiling_on_sc=False),
      scratch_types=[
          pltpu.VMEM((BPW,), jnp.int32),
          pltpu.VMEM((BPW,), jnp.int32),
          pltpu.VMEM((BPW, DC), jnp.float32),
          pltpu.VMEM((BPW,), jnp.int32),
          pltpu.VMEM((BPW,), jnp.int32),
          pltpu.VMEM((BPW,), jnp.int32),
          pltpu.VMEM((BPW,), jnp.int32),
          pltpu.VMEM((BPW,), jnp.int32),
          pltpu.VMEM((BPW,), jnp.int32),
          pltpu.VMEM((BPW,), jnp.int32),
          pltpu.VMEM((BPW,), jnp.int32),
          pltpu.SemaphoreType.DMA,
          pltpu.SemaphoreType.DMA,
          pltpu.SemaphoreType.DMA,
          pltpu.SemaphoreType.DMA,
          pltpu.SemaphoreType.DMA,
          pltpu.SemaphoreType.DMA,
      ],
  )
  def k(x_h, gflat_h, coll_h, ecoll_h,
        out_cl, out_g0, out_g1, out_g2, out_g3,
        idx_v, cidx_v, cl_v, g0_v, g1_v, g2_v, g3_v,
        i0_v, i1_v, i2_v, i3_v,
        sem_ids, sem_cl, sem_g0, sem_g1, sem_g2, sem_g3):
    wid = lax.axis_index("s") * NC + lax.axis_index("c")
    base = wid * BPW
    pltpu.sync_copy(x_h.at[pl.ds(base, BPW)], idx_v)
    cp_ci = pltpu.async_copy(coll_h.at[idx_v], cidx_v, sem_ids)

    def idx_body(i, carry):
      v4 = idx_v[pl.ds(i * 16, 16)] * G
      i0_v[pl.ds(i * 16, 16)] = v4
      i1_v[pl.ds(i * 16, 16)] = v4 + 1
      i2_v[pl.ds(i * 16, 16)] = v4 + 2
      i3_v[pl.ds(i * 16, 16)] = v4 + 3
      return carry

    lax.fori_loop(0, BPW // 16, idx_body, 0)

    cp_g0 = pltpu.async_copy(gflat_h.at[i0_v], g0_v, sem_g0)
    cp_g1 = pltpu.async_copy(gflat_h.at[i1_v], g1_v, sem_g1)
    cp_g2 = pltpu.async_copy(gflat_h.at[i2_v], g2_v, sem_g2)
    cp_g3 = pltpu.async_copy(gflat_h.at[i3_v], g3_v, sem_g3)
    cp_ci.wait()
    cp_cl = pltpu.async_copy(ecoll_h.at[cidx_v], cl_v, sem_cl)
    cp_g0.wait()
    pltpu.sync_copy(g0_v, out_g0.at[pl.ds(base, BPW)])
    cp_g1.wait()
    pltpu.sync_copy(g1_v, out_g1.at[pl.ds(base, BPW)])
    cp_g2.wait()
    pltpu.sync_copy(g2_v, out_g2.at[pl.ds(base, BPW)])
    cp_g3.wait()
    pltpu.sync_copy(g3_v, out_g3.at[pl.ds(base, BPW)])
    cp_cl.wait()
    pltpu.sync_copy(cl_v, out_cl.at[pl.ds(base, BPW)])

  return k(x, genres_flat, coll, emb_collection)


_TC_BLK = 512


def _tc_body(m_ref, cl_ref, ov_ref, g0_ref, g1_ref, g2_ref, g3_ref,
             w1_ref, b1_ref, eg_ref, w2_ref, b2_ref, out_ref):
  dot = functools.partial(jnp.dot, preferred_element_type=jnp.float32)
  w1g = w1_ref[D_MOVIE:D_MOVIE + DG, :]
  eg1 = dot(eg_ref[...], w1g)
  vocab = lax.broadcasted_iota(jnp.int32, (_TC_BLK, GENRE_VOCAB), 1)
  oh = (jnp.where(g0_ref[...] == vocab, 0.25, 0.0)
        + jnp.where(g1_ref[...] == vocab, 0.25, 0.0)
        + jnp.where(g2_ref[...] == vocab, 0.25, 0.0)
        + jnp.where(g3_ref[...] == vocab, 0.25, 0.0))
  h = (m_ref[:, :HIDDEN]
       + dot(oh, eg1)
       + dot(cl_ref[...], w1_ref[D_MOVIE + DG:D_MOVIE + DG + DC, :])
       + dot(ov_ref[...], w1_ref[D_MOVIE + DG + DC:, :])
       + b1_ref[...])
  h = jnp.maximum(h, 0.0)
  out_ref[...] = dot(h, w2_ref[...]) + b2_ref[...]


def _tc_dense(m, cl, ov, g0, g1, g2, g3, w1, b1, eg, w2, b2):
  grid = (B // _TC_BLK,)
  bs = pl.BlockSpec
  return pl.pallas_call(
      _tc_body,
      grid=grid,
      in_specs=[
          bs((_TC_BLK, _PROJ_W), lambda i: (i, 0)),
          bs((_TC_BLK, DC), lambda i: (i, 0)),
          bs((_TC_BLK, D_OV), lambda i: (i, 0)),
          bs((_TC_BLK, 1), lambda i: (i, 0)),
          bs((_TC_BLK, 1), lambda i: (i, 0)),
          bs((_TC_BLK, 1), lambda i: (i, 0)),
          bs((_TC_BLK, 1), lambda i: (i, 0)),
          bs((D_IN, HIDDEN), lambda i: (0, 0)),
          bs((1, HIDDEN), lambda i: (0, 0)),
          bs((GENRE_VOCAB, DG), lambda i: (0, 0)),
          bs((HIDDEN, RANK), lambda i: (0, 0)),
          bs((1, RANK), lambda i: (0, 0)),
      ],
      out_specs=bs((_TC_BLK, RANK), lambda i: (i, 0)),
      out_shape=jax.ShapeDtypeStruct((B, RANK), jnp.float32),
  )(m, cl, ov, g0, g1, g2, g3, w1, b1, eg, w2, b2)


def kernel(x, genres, collection, ov_emb, movie_table, emb_genre,
           emb_collection, W1, b1, W2, b2):
  x = x.astype(jnp.int32)
  genres_flat = genres.astype(jnp.int32).reshape(-1)
  coll = collection.astype(jnp.int32)

  w1m_pad = jnp.zeros((D_MOVIE, _PROJ_W), jnp.float32)
  w1m_pad = w1m_pad.at[:, :HIDDEN].set(W1[:D_MOVIE, :])
  movie_proj = _tc_movie_proj(movie_table, w1m_pad)
  ov, mp = _sc_gather_a(x, ov_emb, movie_proj)
  cl, g0, g1, g2, g3 = _sc_gather_b(x, genres_flat, coll, emb_collection)
  return _tc_dense(mp, cl, ov,
                   g0[:, None], g1[:, None], g2[:, None], g3[:, None],
                   W1, b1[None, :], emb_genre, W2, b2[None, :])

# --- scband reference (transcript-rebuilt; emitter-appended) ---
"""Pipeline reference for scband-movie-info-model-82162724373221 (READ-ONLY COPY).

The authoritative reference and input builder live on the scoring server;
editing this copy changes nothing except your own understanding.
"""

import jax, jax.numpy as jnp
import numpy as np

N_MOVIES = 100000
BATCH = 4096
D_MOVIE = 64
D_OV = 384
G = 4
GENRE_VOCAB = 32
COLL_VOCAB = 5000
DG = 32
DC = 32
HIDDEN = 64
RANK = 64


def setup_inputs(seed: int = 0) -> dict:
    key = jax.random.key(seed)
    ks = jax.random.split(key, 12)
    x = jax.random.randint(ks[0], (BATCH,), 0, N_MOVIES)
    # per-movie metadata tables (surrogates for df_movieinfo columns)
    genres = jax.random.randint(ks[1], (N_MOVIES, G), 0, GENRE_VOCAB)
    collection = jax.random.randint(ks[2], (N_MOVIES,), 0, COLL_VOCAB)
    ov_emb = jax.random.normal(ks[3], (N_MOVIES, D_OV), dtype=jnp.float32) * 0.05
    # learned parameters
    movie_table = jax.random.normal(ks[4], (N_MOVIES, D_MOVIE), dtype=jnp.float32) * 0.05
    emb_genre = jax.random.normal(ks[5], (GENRE_VOCAB, DG), dtype=jnp.float32) * 0.05
    emb_collection = jax.random.normal(ks[6], (COLL_VOCAB, DC), dtype=jnp.float32) * 0.05
    d_in = D_MOVIE + DG + DC + D_OV
    W1 = jax.random.normal(ks[7], (d_in, HIDDEN), dtype=jnp.float32) * np.sqrt(2.0 / d_in)
    b1 = jnp.zeros((HIDDEN,), dtype=jnp.float32)
    W2 = jax.random.normal(ks[8], (HIDDEN, RANK), dtype=jnp.float32) * np.sqrt(1.0 / HIDDEN)
    b2 = jnp.zeros((RANK,), dtype=jnp.float32)
    return {
        'x': x,
        'genres': genres,
        'collection': collection,
        'ov_emb': ov_emb,
        'movie_table': movie_table,
        'emb_genre': emb_genre,
        'emb_collection': emb_collection,
        'W1': W1,
        'b1': b1,
        'W2': W2,
        'b2': b2,
    }


def reference(x, genres, collection, ov_emb, movie_table, emb_genre, emb_collection, W1, b1, W2, b2):
    # movie_model(x): embedding lookup producing the base movie vector
    x_movie = jnp.take(movie_table, x, axis=0)                 # [B, D_MOVIE]
    # IntegerLookup maps raw movie ids to table rows; here ids == rows
    idx = x
    # gather per-movie genre lists, embed, mean-pool over genre axis
    g_idx = jnp.take(genres, idx, axis=0)                      # [B, G]
    x_genre = jnp.take(emb_genre, g_idx, axis=0)               # [B, G, DG]
    x_genre = jnp.mean(x_genre, axis=-2)                       # [B, DG]
    # collection id gather + embedding
    c_idx = jnp.take(collection, idx, axis=0)                  # [B]
    x_coll = jnp.take(emb_collection, c_idx, axis=0)           # [B, DC]
    # overview text embedding gather (frozen constant in the original)
    x_ov = jnp.take(ov_emb, idx, axis=0)                       # [B, D_OV]
    h = jnp.concatenate([x_movie, x_genre, x_coll, x_ov], axis=-1)
    h = jax.nn.relu(h @ W1 + b1)
    return h @ W2 + b2

if __name__ == "__main__":
    import jax
    _d = setup_inputs()
    print(jax.jit(kernel)(*tuple(_d.values())))

</pallas_src>

<mosaic_0001>
#map = affine_map<(d0, d1) -> (0)>
#map1 = affine_map<(d0, d1) -> (0, 0)>
module attributes {stable_mosaic.version = 14 : i64} {
  func.func @k(%arg0: i32, %arg1: i32, %arg2: memref<4096xi32, #tpu.memory_space<hbm>>, %arg3: memref<100000x384xf32, #tpu.memory_space<hbm>>, %arg4: memref<100000x128xf32, #tpu.memory_space<hbm>>, %arg5: memref<4096x384xf32, #tpu.memory_space<hbm>>, %arg6: memref<4096x128xf32, #tpu.memory_space<hbm>>, %arg7: memref<128xi32, #tpu.memory_space<vmem>>, %arg8: memref<128x384xf32, #tpu.memory_space<vmem>>, %arg9: memref<128x128xf32, #tpu.memory_space<vmem>>, %arg10: memref<!tpu.dma_semaphore, #tpu.memory_space<semaphore_mem>>, %arg11: memref<!tpu.dma_semaphore, #tpu.memory_space<semaphore_mem>>) attributes {dimension_semantics = [#tpu.dimension_semantics<core_parallel>, #tpu.dimension_semantics<subcore_parallel>], iteration_bounds = array<i64: 2, 16>, scalar_prefetch = 0 : i64, scratch_operands = 5 : i64, tpu.core_type = #tpu.core_type<sc_vector_subcore>, window_params = [{transform_indices = #map}, {transform_indices = #map1}, {transform_indices = #map1}, {transform_indices = #map1}, {transform_indices = #map1}]} {
    %mul3A = arith.constant 2 : i32
    %mul3A_0 = arith.muli %arg1, %mul3A : i32
    %add3A = arith.addi %mul3A_0, %arg0 : i32
    %mul3A_1 = arith.constant 128 : i32
    %mul3A_2 = arith.muli %add3A, %mul3A_1 : i32
    "tpu.region"() ({
      %run_scoped3A = tpu.sem_alloc : memref<!tpu.dma_semaphore, #tpu.memory_space<semaphore_mem>>
      %dma_start3A_13 = tpu.memref_slice %arg2[%mul3A_2] : memref<4096xi32, #tpu.memory_space<hbm>> -> memref<128xi32, #tpu.memory_space<hbm>>
      %dma_start3A_14 = tpu.memref_slice %arg2[%mul3A_2] : memref<4096xi32, #tpu.memory_space<hbm>> -> memref<128xi32, #tpu.memory_space<hbm>>
      tpu.enqueue_dma source(%dma_start3A_14 : memref<128xi32, #tpu.memory_space<hbm>>) target(%arg7 : memref<128xi32, #tpu.memory_space<vmem>>) target_semaphore(%run_scoped3A : memref<!tpu.dma_semaphore, #tpu.memory_space<semaphore_mem>>)
      %dma_wait3A_15 = tpu.memref_slice %arg2[%mul3A_2] : memref<4096xi32, #tpu.memory_space<hbm>> -> memref<128xi32, #tpu.memory_space<hbm>>
      %dma_wait3A_16 = tpu.memref_slice %arg2[%mul3A_2] : memref<4096xi32, #tpu.memory_space<hbm>> -> memref<128xi32, #tpu.memory_space<hbm>>
      tpu.wait_dma2 semaphore(%run_scoped3A : memref<!tpu.dma_semaphore, #tpu.memory_space<semaphore_mem>>) src(%dma_wait3A_16 : memref<128xi32, #tpu.memory_space<hbm>>) dst(%arg7 : memref<128xi32, #tpu.memory_space<vmem>>)
      tpu.yield
    }) : () -> ()
    %dma_start3A = arith.constant 0 : i32
    %dma_start3A_3 = arith.constant 0 : i32
    %dma_start3A_4 = tpu.memref_slice %arg3[%dma_start3A, %dma_start3A_3] : memref<100000x384xf32, #tpu.memory_space<hbm>> -> memref<100000x384xf32, #tpu.memory_space<hbm>>
    tpu.enqueue_indirect_dma source(%dma_start3A_4 : memref<100000x384xf32, #tpu.memory_space<hbm>>) target(%arg8 : memref<128x384xf32, #tpu.memory_space<vmem>>) offsets(%arg7 : memref<128xi32, #tpu.memory_space<vmem>>) semaphore(%arg10 : memref<!tpu.dma_semaphore, #tpu.memory_space<semaphore_mem>>)
    %dma_start3A_5 = arith.constant 0 : i32
    %dma_start3A_6 = arith.constant 0 : i32
    %dma_start3A_7 = tpu.memref_slice %arg4[%dma_start3A_5, %dma_start3A_6] : memref<100000x128xf32, #tpu.memory_space<hbm>> -> memref<100000x128xf32, #tpu.memory_space<hbm>>
    tpu.enqueue_indirect_dma source(%dma_start3A_7 : memref<100000x128xf32, #tpu.memory_space<hbm>>) target(%arg9 : memref<128x128xf32, #tpu.memory_space<vmem>>) offsets(%arg7 : memref<128xi32, #tpu.memory_space<vmem>>) semaphore(%arg11 : memref<!tpu.dma_semaphore, #tpu.memory_space<semaphore_mem>>)
    %dma_wait3A = arith.constant 0 : i32
    %dma_wait3A_8 = arith.constant 0 : i32
    %dma_wait3A_9 = tpu.memref_slice %arg4[%dma_wait3A, %dma_wait3A_8] : memref<100000x128xf32, #tpu.memory_space<hbm>> -> memref<100000x128xf32, #tpu.memory_space<hbm>>
    tpu.wait_indirect_dma semaphore(%arg11 : memref<!tpu.dma_semaphore, #tpu.memory_space<semaphore_mem>>) src(%dma_wait3A_9 : memref<100000x128xf32, #tpu.memory_space<hbm>>) dst(%arg9 : memref<128x128xf32, #tpu.memory_space<vmem>>)
    "tpu.region"() ({
      %run_scoped3A = tpu.sem_alloc : memref<!tpu.dma_semaphore, #tpu.memory_space<semaphore_mem>>
      %dma_start3A_13 = arith.constant 0 : i32
      %dma_start3A_14 = tpu.memref_slice %arg6[%mul3A_2, %dma_start3A_13] : memref<4096x128xf32, #tpu.memory_space<hbm>> -> memref<128x128xf32, #tpu.memory_space<hbm>>
      %dma_start3A_15 = arith.constant 0 : i32
      %dma_start3A_16 = tpu.memref_slice %arg6[%mul3A_2, %dma_start3A_15] : memref<4096x128xf32, #tpu.memory_space<hbm>> -> memref<128x128xf32, #tpu.memory_space<hbm>>
      tpu.enqueue_dma source(%arg9 : memref<128x128xf32, #tpu.memory_space<vmem>>) target(%dma_start3A_16 : memref<128x128xf32, #tpu.memory_space<hbm>>) target_semaphore(%run_scoped3A : memref<!tpu.dma_semaphore, #tpu.memory_space<semaphore_mem>>)
      %dma_wait3A_17 = arith.constant 0 : i32
      %dma_wait3A_18 = tpu.memref_slice %arg6[%mul3A_2, %dma_wait3A_17] : memref<4096x128xf32, #tpu.memory_space<hbm>> -> memref<128x128xf32, #tpu.memory_space<hbm>>
      %dma_wait3A_19 = arith.constant 0 : i32
      %dma_wait3A_20 = tpu.memref_slice %arg6[%mul3A_2, %dma_wait3A_19] : memref<4096x128xf32, #tpu.memory_space<hbm>> -> memref<128x128xf32, #tpu.memory_space<hbm>>
      tpu.wait_dma2 semaphore(%run_scoped3A : memref<!tpu.dma_semaphore, #tpu.memory_space<semaphore_mem>>) src(%arg9 : memref<128x128xf32, #tpu.memory_space<vmem>>) dst(%dma_wait3A_20 : memref<128x128xf32, #tpu.memory_space<hbm>>)
      tpu.yield
    }) : () -> ()
    %dma_wait3A_10 = arith.constant 0 : i32
    %dma_wait3A_11 = arith.constant 0 : i32
    %dma_wait3A_12 = tpu.memref_slice %arg3[%dma_wait3A_10, %dma_wait3A_11] : memref<100000x384xf32, #tpu.memory_space<hbm>> -> memref<100000x384xf32, #tpu.memory_space<hbm>>
    tpu.wait_indirect_dma semaphore(%arg10 : memref<!tpu.dma_semaphore, #tpu.memory_space<semaphore_mem>>) src(%dma_wait3A_12 : memref<100000x384xf32, #tpu.memory_space<hbm>>) dst(%arg8 : memref<128x384xf32, #tpu.memory_space<vmem>>)
    "tpu.region"() ({
      %run_scoped3A = tpu.sem_alloc : memref<!tpu.dma_semaphore, #tpu.memory_space<semaphore_mem>>
      %dma_start3A_13 = arith.constant 0 : i32
      %dma_start3A_14 = tpu.memref_slice %arg5[%mul3A_2, %dma_start3A_13] : memref<4096x384xf32, #tpu.memory_space<hbm>> -> memref<128x384xf32, #tpu.memory_space<hbm>>
      %dma_start3A_15 = arith.constant 0 : i32
      %dma_start3A_16 = tpu.memref_slice %arg5[%mul3A_2, %dma_start3A_15] : memref<4096x384xf32, #tpu.memory_space<hbm>> -> memref<128x384xf32, #tpu.memory_space<hbm>>
      tpu.enqueue_dma source(%arg8 : memref<128x384xf32, #tpu.memory_space<vmem>>) target(%dma_start3A_16 : memref<128x384xf32, #tpu.memory_space<hbm>>) target_semaphore(%run_scoped3A : memref<!tpu.dma_semaphore, #tpu.memory_space<semaphore_mem>>)
      %dma_wait3A_17 = arith.constant 0 : i32
      %dma_wait3A_18 = tpu.memref_slice %arg5[%mul3A_2, %dma_wait3A_17] : memref<4096x384xf32, #tpu.memory_space<hbm>> -> memref<128x384xf32, #tpu.memory_space<hbm>>
      %dma_wait3A_19 = arith.constant 0 : i32
      %dma_wait3A_20 = tpu.memref_slice %arg5[%mul3A_2, %dma_wait3A_19] : memref<4096x384xf32, #tpu.memory_space<hbm>> -> memref<128x384xf32, #tpu.memory_space<hbm>>
      tpu.wait_dma2 semaphore(%run_scoped3A : memref<!tpu.dma_semaphore, #tpu.memory_space<semaphore_mem>>) src(%arg8 : memref<128x384xf32, #tpu.memory_space<vmem>>) dst(%dma_wait3A_20 : memref<128x384xf32, #tpu.memory_space<hbm>>)
      tpu.yield
    }) : () -> ()
    return
  }
}

#map = affine_map<(d0, d1) -> (0)>
#map1 = affine_map<(d0, d1) -> (0, 0)>
module attributes {stable_mosaic.version = 14 : i64} {
  func.func @k(%arg0: i32, %arg1: i32, %arg2: memref<4096xi32, #tpu.memory_space<hbm>>, %arg3: memref<400000xi32, #tpu.memory_space<hbm>>, %arg4: memref<100000xi32, #tpu.memory_space<hbm>>, %arg5: memref<5000x32xf32, #tpu.memory_space<hbm>>, %arg6: memref<4096x32xf32, #tpu.memory_space<hbm>>, %arg7: memref<4096xi32, #tpu.memory_space<hbm>>, %arg8: memref<4096xi32, #tpu.memory_space<hbm>>, %arg9: memref<4096xi32, #tpu.memory_space<hbm>>, %arg10: memref<4096xi32, #tpu.memory_space<hbm>>, %arg11: memref<128xi32, #tpu.memory_space<vmem>>, %arg12: memref<128xi32, #tpu.memory_space<vmem>>, %arg13: memref<128x32xf32, #tpu.memory_space<vmem>>, %arg14: memref<128xi32, #tpu.memory_space<vmem>>, %arg15: memref<128xi32, #tpu.memory_space<vmem>>, %arg16: memref<128xi32, #tpu.memory_space<vmem>>, %arg17: memref<128xi32, #tpu.memory_space<vmem>>, %arg18: memref<128xi32, #tpu.memory_space<vmem>>, %arg19: memref<128xi32, #tpu.memory_space<vmem>>, %arg20: memref<128xi32, #tpu.memory_space<vmem>>, %arg21: memref<128xi32, #tpu.memory_space<vmem>>, %arg22: memref<!tpu.dma_semaphore, #tpu.memory_space<semaphore_mem>>, %arg23: memref<!tpu.dma_semaphore, #tpu.memory_space<semaphore_mem>>, %arg24: memref<!tpu.dma_semaphore, #tpu.memory_space<semaphore_mem>>, %arg25: memref<!tpu.dma_semaphore, #tpu.memory_space<semaphore_mem>>, %arg26: memref<!tpu.dma_semaphore, #tpu.memory_space<semaphore_mem>>, %arg27: memref<!tpu.dma_semaphore, #tpu.memory_space<semaphore_mem>>) attributes {dimension_semantics = [#tpu.dimension_semantics<core_parallel>, #tpu.dimension_semantics<subcore_parallel>], iteration_bounds = array<i64: 2, 16>, scalar_prefetch = 0 : i64, scratch_operands = 17 : i64, tpu.core_type = #tpu.core_type<sc_vector_subcore>, window_params = [{transform_indices = #map}, {transform_indices = #map}, {transform_indices = #map}, {transform_indices = #map1}, {transform_indices = #map1}, {transform_indices = #map}, {transform_indices = #map}, {transform_indices = #map}, {transform_indices = #map}]} {
    %mul3A = arith.constant 2 : i32
    %mul3A_0 = arith.muli %arg1, %mul3A : i32
    %add3A = arith.addi %mul3A_0, %arg0 : i32
    %mul3A_1 = arith.constant 128 : i32
    %mul3A_2 = arith.muli %add3A, %mul3A_1 : i32
    "tpu.region"() ({
      %run_scoped3A = tpu.sem_alloc : memref<!tpu.dma_semaphore, #tpu.memory_space<semaphore_mem>>
      %dma_start3A_32 = tpu.memref_slice %arg2[%mul3A_2] : memref<4096xi32, #tpu.memory_space<hbm>> -> memref<128xi32, #tpu.memory_space<hbm>>
      %dma_start3A_33 = tpu.memref_slice %arg2[%mul3A_2] : memref<4096xi32, #tpu.memory_space<hbm>> -> memref<128xi32, #tpu.memory_space<hbm>>
      tpu.enqueue_dma source(%dma_start3A_33 : memref<128xi32, #tpu.memory_space<hbm>>) target(%arg11 : memref<128xi32, #tpu.memory_space<vmem>>) target_semaphore(%run_scoped3A : memref<!tpu.dma_semaphore, #tpu.memory_space<semaphore_mem>>)
      %dma_wait3A_34 = tpu.memref_slice %arg2[%mul3A_2] : memref<4096xi32, #tpu.memory_space<hbm>> -> memref<128xi32, #tpu.memory_space<hbm>>
      %dma_wait3A_35 = tpu.memref_slice %arg2[%mul3A_2] : memref<4096xi32, #tpu.memory_space<hbm>> -> memref<128xi32, #tpu.memory_space<hbm>>
      tpu.wait_dma2 semaphore(%run_scoped3A : memref<!tpu.dma_semaphore, #tpu.memory_space<semaphore_mem>>) src(%dma_wait3A_35 : memref<128xi32, #tpu.memory_space<hbm>>) dst(%arg11 : memref<128xi32, #tpu.memory_space<vmem>>)
      tpu.yield
    }) : () -> ()
    %dma_start3A = arith.constant 0 : i32
    %dma_start3A_3 = tpu.memref_slice %arg4[%dma_start3A] : memref<100000xi32, #tpu.memory_space<hbm>> -> memref<100000xi32, #tpu.memory_space<hbm>>
    tpu.enqueue_indirect_dma source(%dma_start3A_3 : memref<100000xi32, #tpu.memory_space<hbm>>) target(%arg12 : memref<128xi32, #tpu.memory_space<vmem>>) offsets(%arg11 : memref<128xi32, #tpu.memory_space<vmem>>) semaphore(%arg22 : memref<!tpu.dma_semaphore, #tpu.memory_space<semaphore_mem>>)
    %scan3A = arith.constant 0 : i32
    %scan3A_4 = arith.constant 0 : i32
    %scan3A_5 = arith.constant 8 : i32
    %scan3A_6 = arith.addi %scan3A_4, %scan3A_5 : i32
    %scan3A_7 = arith.constant 1 : i32
    scf.for %scan3A_32 = %scan3A_4 to %scan3A_6 step %scan3A_7  : i32 {
      %mul3A_33 = arith.constant 16 : i32
      %mul3A_34 = arith.muli %scan3A_32, %mul3A_33 : i32
      %get3A = arith.index_cast %mul3A_34 : i32 to index
      %get3A_35 = tpu.vector_load %arg11[%get3A] {strides = array<i32>} : memref<128xi32, #tpu.memory_space<vmem>>, vector<16xi32>,
      %get3A_36 = vector.shape_cast %get3A_35 : vector<16xi32> to vector<16xi32>
      %mul3A_37 = arith.constant 4 : i32
      %mul3A_38 = vector.broadcast %mul3A_37 : i32 to vector<16xi32>
      %mul3A_39 = arith.muli %get3A_36, %mul3A_38 : vector<16xi32>
      %mul3A_40 = arith.constant 16 : i32
      %mul3A_41 = arith.muli %scan3A_32, %mul3A_40 : i32
      %swap3A = arith.index_cast %mul3A_41 : i32 to index
      %swap3A_42 = tpu.vector_load %arg18[%swap3A] {strides = array<i32>} : memref<128xi32, #tpu.memory_space<vmem>>, vector<16xi32>,
      %swap3A_43 = vector.shape_cast %swap3A_42 : vector<16xi32> to vector<16xi32>
      %swap3A_44 = vector.shape_cast %mul3A_39 : vector<16xi32> to vector<16xi32>
      tpu.vector_store %arg18[%swap3A], %swap3A_44 {strides = array<i32>} : memref<128xi32, #tpu.memory_space<vmem>>, vector<16xi32>,
      %add3A_45 = arith.constant 1 : i32
      %add3A_46 = vector.broadcast %add3A_45 : i32 to vector<16xi32>
      %add3A_47 = arith.addi %mul3A_39, %add3A_46 : vector<16xi32>
      %mul3A_48 = arith.constant 16 : i32
      %mul3A_49 = arith.muli %scan3A_32, %mul3A_48 : i32
      %swap3A_50 = arith.index_cast %mul3A_49 : i32 to index
      %swap3A_51 = tpu.vector_load %arg19[%swap3A_50] {strides = array<i32>} : memref<128xi32, #tpu.memory_space<vmem>>, vector<16xi32>,
      %swap3A_52 = vector.shape_cast %swap3A_51 : vector<16xi32> to vector<16xi32>
      %swap3A_53 = vector.shape_cast %add3A_47 : vector<16xi32> to vector<16xi32>
      tpu.vector_store %arg19[%swap3A_50], %swap3A_53 {strides = array<i32>} : memref<128xi32, #tpu.memory_space<vmem>>, vector<16xi32>,
      %add3A_54 = arith.constant 2 : i32
      %add3A_55 = vector.broadcast %add3A_54 : i32 to vector<16xi32>
      %add3A_56 = arith.addi %mul3A_39, %add3A_55 : vector<16xi32>
      %mul3A_57 = arith.constant 16 : i32
      %mul3A_58 = arith.muli %scan3A_32, %mul3A_57 : i32
      %swap3A_59 = arith.index_cast %mul3A_58 : i32 to index
      %swap3A_60 = tpu.vector_load %arg20[%swap3A_59] {strides = array<i32>} : memref<128xi32, #tpu.memory_space<vmem>>, vector<16xi32>,
      %swap3A_61 = vector.shape_cast %swap3A_60 : vector<16xi32> to vector<16xi32>
      %swap3A_62 = vector.shape_cast %add3A_56 : vector<16xi32> to vector<16xi32>
      tpu.vector_store %arg20[%swap3A_59], %swap3A_62 {strides = array<i32>} : memref<128xi32, #tpu.memory_space<vmem>>, vector<16xi32>,
      %add3A_63 = arith.constant 3 : i32
      %add3A_64 = vector.broadcast %add3A_63 : i32 to vector<16xi32>
      %add3A_65 = arith.addi %mul3A_39, %add3A_64 : vector<16xi32>
      %mul3A_66 = arith.constant 16 : i32
      %mul3A_67 = arith.muli %scan3A_32, %mul3A_66 : i32
      %swap3A_68 = arith.index_cast %mul3A_67 : i32 to index
      %swap3A_69 = tpu.vector_load %arg21[%swap3A_68] {strides = array<i32>} : memref<128xi32, #tpu.memory_space<vmem>>, vector<16xi32>,
      %swap3A_70 = vector.shape_cast %swap3A_69 : vector<16xi32> to vector<16xi32>
      %swap3A_71 = vector.shape_cast %add3A_65 : vector<16xi32> to vector<16xi32>
      tpu.vector_store %arg21[%swap3A_68], %swap3A_71 {strides = array<i32>} : memref<128xi32, #tpu.memory_space<vmem>>, vector<16xi32>,
    }
    %scan3A_8 = arith.constant 8 : i32
    %dma_start3A_9 = arith.constant 0 : i32
    %dma_start3A_10 = tpu.memref_slice %arg3[%dma_start3A_9] : memref<400000xi32, #tpu.memory_space<hbm>> -> memref<400000xi32, #tpu.memory_space<hbm>>
    tpu.enqueue_indirect_dma source(%dma_start3A_10 : memref<400000xi32, #tpu.memory_space<hbm>>) target(%arg14 : memref<128xi32, #tpu.memory_space<vmem>>) offsets(%arg18 : memref<128xi32, #tpu.memory_space<vmem>>) semaphore(%arg24 : memref<!tpu.dma_semaphore, #tpu.memory_space<semaphore_mem>>)
    %dma_start3A_11 = arith.constant 0 : i32
    %dma_start3A_12 = tpu.memref_slice %arg3[%dma_start3A_11] : memref<400000xi32, #tpu.memory_space<hbm>> -> memref<400000xi32, #tpu.memory_space<hbm>>
    tpu.enqueue_indirect_dma source(%dma_start3A_12 : memref<400000xi32, #tpu.memory_space<hbm>>) target(%arg15 : memref<128xi32, #tpu.memory_space<vmem>>) offsets(%arg19 : memref<128xi32, #tpu.memory_space<vmem>>) semaphore(%arg25 : memref<!tpu.dma_semaphore, #tpu.memory_space<semaphore_mem>>)
    %dma_start3A_13 = arith.constant 0 : i32
    %dma_start3A_14 = tpu.memref_slice %arg3[%dma_start3A_13] : memref<400000xi32, #tpu.memory_space<hbm>> -> memref<400000xi32, #tpu.memory_space<hbm>>
    tpu.enqueue_indirect_dma source(%dma_start3A_14 : memref<400000xi32, #tpu.memory_space<hbm>>) target(%arg16 : memref<128xi32, #tpu.memory_space<vmem>>) offsets(%arg20 : memref<128xi32, #tpu.memory_space<vmem>>) semaphore(%arg26 : memref<!tpu.dma_semaphore, #tpu.memory_space<semaphore_mem>>)
    %dma_start3A_15 = arith.constant 0 : i32
    %dma_start3A_16 = tpu.memref_slice %arg3[%dma_start3A_15] : memref<400000xi32, #tpu.memory_space<hbm>> -> memref<400000xi32, #tpu.memory_space<hbm>>
    tpu.enqueue_indirect_dma source(%dma_start3A_16 : memref<400000xi32, #tpu.memory_space<hbm>>) target(%arg17 : memref<128xi32, #tpu.memory_space<vmem>>) offsets(%arg21 : memref<128xi32, #tpu.memory_space<vmem>>) semaphore(%arg27 : memref<!tpu.dma_semaphore, #tpu.memory_space<semaphore_mem>>)
    %dma_wait3A = arith.constant 0 : i32
    %dma_wait3A_17 = tpu.memref_slice %arg4[%dma_wait3A] : memref<100000xi32, #tpu.memory_space<hbm>> -> memref<100000xi32, #tpu.memory_space<hbm>>
    tpu.wait_indirect_dma semaphore(%arg22 : memref<!tpu.dma_semaphore, #tpu.memory_space<semaphore_mem>>) src(%dma_wait3A_17 : memref<100000xi32, #tpu.memory_space<hbm>>) dst(%arg12 : memref<128xi32, #tpu.memory_space<vmem>>)
    %dma_start3A_18 = arith.constant 0 : i32
    %dma_start3A_19 = arith.constant 0 : i32
    %dma_start3A_20 = tpu.memref_slice %arg5[%dma_start3A_18, %dma_start3A_19] : memref<5000x32xf32, #tpu.memory_space<hbm>> -> memref<5000x32xf32, #tpu.memory_space<hbm>>
    tpu.enqueue_indirect_dma source(%dma_start3A_20 : memref<5000x32xf32, #tpu.memory_space<hbm>>) target(%arg13 : memref<128x32xf32, #tpu.memory_space<vmem>>) offsets(%arg12 : memref<128xi32, #tpu.memory_space<vmem>>) semaphore(%arg23 : memref<!tpu.dma_semaphore, #tpu.memory_space<semaphore_mem>>)
    %dma_wait3A_21 = arith.constant 0 : i32
    %dma_wait3A_22 = tpu.memref_slice %arg3[%dma_wait3A_21] : memref<400000xi32, #tpu.memory_space<hbm>> -> memref<400000xi32, #tpu.memory_space<hbm>>
    tpu.wait_indirect_dma semaphore(%arg24 : memref<!tpu.dma_semaphore, #tpu.memory_space<semaphore_mem>>) src(%dma_wait3A_22 : memref<400000xi32, #tpu.memory_space<hbm>>) dst(%arg14 : memref<128xi32, #tpu.memory_space<vmem>>)
    "tpu.region"() ({
      %run_scoped3A = tpu.sem_alloc : memref<!tpu.dma_semaphore, #tpu.memory_space<semaphore_mem>>
      %dma_start3A_32 = tpu.memref_slice %arg7[%mul3A_2] : memref<4096xi32, #tpu.memory_space<hbm>> -> memref<128xi32, #tpu.memory_space<hbm>>
      %dma_start3A_33 = tpu.memref_slice %arg7[%mul3A_2] : memref<4096xi32, #tpu.memory_space<hbm>> -> memref<128xi32, #tpu.memory_space<hbm>>
      tpu.enqueue_dma source(%arg14 : memref<128xi32, #tpu.memory_space<vmem>>) target(%dma_start3A_33 : memref<128xi32, #tpu.memory_space<hbm>>) target_semaphore(%run_scoped3A : memref<!tpu.dma_semaphore, #tpu.memory_space<semaphore_mem>>)
      %dma_wait3A_34 = tpu.memref_slice %arg7[%mul3A_2] : memref<4096xi32, #tpu.memory_space<hbm>> -> memref<128xi32, #tpu.memory_space<hbm>>
      %dma_wait3A_35 = tpu.memref_slice %arg7[%mul3A_2] : memref<4096xi32, #tpu.memory_space<hbm>> -> memref<128xi32, #tpu.memory_space<hbm>>
      tpu.wait_dma2 semaphore(%run_scoped3A : memref<!tpu.dma_semaphore, #tpu.memory_space<semaphore_mem>>) src(%arg14 : memref<128xi32, #tpu.memory_space<vmem>>) dst(%dma_wait3A_35 : memref<128xi32, #tpu.memory_space<hbm>>)
      tpu.yield
    }) : () -> ()
    %dma_wait3A_23 = arith.constant 0 : i32
    %dma_wait3A_24 = tpu.memref_slice %arg3[%dma_wait3A_23] : memref<400000xi32, #tpu.memory_space<hbm>> -> memref<400000xi32, #tpu.memory_space<hbm>>
    tpu.wait_indirect_dma semaphore(%arg25 : memref<!tpu.dma_semaphore, #tpu.memory_space<semaphore_mem>>) src(%dma_wait3A_24 : memref<400000xi32, #tpu.memory_space<hbm>>) dst(%arg15 : memref<128xi32, #tpu.memory_space<vmem>>)
    "tpu.region"() ({
      %run_scoped3A = tpu.sem_alloc : memref<!tpu.dma_semaphore, #tpu.memory_space<semaphore_mem>>
      %dma_start3A_32 = tpu.memref_slice %arg8[%mul3A_2] : memref<4096xi32, #tpu.memory_space<hbm>> -> memref<128xi32, #tpu.memory_space<hbm>>
      %dma_start3A_33 = tpu.memref_slice %arg8[%mul3A_2] : memref<4096xi32, #tpu.memory_space<hbm>> -> memref<128xi32, #tpu.memory_space<hbm>>
      tpu.enqueue_dma source(%arg15 : memref<128xi32, #tpu.memory_space<vmem>>) target(%dma_start3A_33 : memref<128xi32, #tpu.memory_space<hbm>>) target_semaphore(%run_scoped3A : memref<!tpu.dma_semaphore, #tpu.memory_space<semaphore_mem>>)
      %dma_wait3A_34 = tpu.memref_slice %arg8[%mul3A_2] : memref<4096xi32, #tpu.memory_space<hbm>> -> memref<128xi32, #tpu.memory_space<hbm>>
      %dma_wait3A_35 = tpu.memref_slice %arg8[%mul3A_2] : memref<4096xi32, #tpu.memory_space<hbm>> -> memref<128xi32, #tpu.memory_space<hbm>>
      tpu.wait_dma2 semaphore(%run_scoped3A : memref<!tpu.dma_semaphore, #tpu.memory_space<semaphore_mem>>) src(%arg15 : memref<128xi32, #tpu.memory_space<vmem>>) dst(%dma_wait3A_35 : memref<128xi32, #tpu.memory_space<hbm>>)
      tpu.yield
    }) : () -> ()
    %dma_wait3A_25 = arith.constant 0 : i32
    %dma_wait3A_26 = tpu.memref_slice %arg3[%dma_wait3A_25] : memref<400000xi32, #tpu.memory_space<hbm>> -> memref<400000xi32, #tpu.memory_space<hbm>>
    tpu.wait_indirect_dma semaphore(%arg26 : memref<!tpu.dma_semaphore, #tpu.memory_space<semaphore_mem>>) src(%dma_wait3A_26 : memref<400000xi32, #tpu.memory_space<hbm>>) dst(%arg16 : memref<128xi32, #tpu.memory_space<vmem>>)
    "tpu.region"() ({
      %run_scoped3A = tpu.sem_alloc : memref<!tpu.dma_semaphore, #tpu.memory_space<semaphore_mem>>
      %dma_start3A_32 = tpu.memref_slice %arg9[%mul3A_2] : memref<4096xi32, #tpu.memory_space<hbm>> -> memref<128xi32, #tpu.memory_space<hbm>>
      %dma_start3A_33 = tpu.memref_slice %arg9[%mul3A_2] : memref<4096xi32, #tpu.memory_space<hbm>> -> memref<128xi32, #tpu.memory_space<hbm>>
      tpu.enqueue_dma source(%arg16 : memref<128xi32, #tpu.memory_space<vmem>>) target(%dma_start3A_33 : memref<128xi32, #tpu.memory_space<hbm>>) target_semaphore(%run_scoped3A : memref<!tpu.dma_semaphore, #tpu.memory_space<semaphore_mem>>)
      %dma_wait3A_34 = tpu.memref_slice %arg9[%mul3A_2] : memref<4096xi32, #tpu.memory_space<hbm>> -> memref<128xi32, #tpu.memory_space<hbm>>
      %dma_wait3A_35 = tpu.memref_slice %arg9[%mul3A_2] : memref<4096xi32, #tpu.memory_space<hbm>> -> memref<128xi32, #tpu.memory_space<hbm>>
      tpu.wait_dma2 semaphore(%run_scoped3A : memref<!tpu.dma_semaphore, #tpu.memory_space<semaphore_mem>>) src(%arg16 : memref<128xi32, #tpu.memory_space<vmem>>) dst(%dma_wait3A_35 : memref<128xi32, #tpu.memory_space<hbm>>)
      tpu.yield
    }) : () -> ()
    %dma_wait3A_27 = arith.constant 0 : i32
    %dma_wait3A_28 = tpu.memref_slice %arg3[%dma_wait3A_27] : memref<400000xi32, #tpu.memory_space<hbm>> -> memref<400000xi32, #tpu.memory_space<hbm>>
    tpu.wait_indirect_dma semaphore(%arg27 : memref<!tpu.dma_semaphore, #tpu.memory_space<semaphore_mem>>) src(%dma_wait3A_28 : memref<400000xi32, #tpu.memory_space<hbm>>) dst(%arg17 : memref<128xi32, #tpu.memory_space<vmem>>)
    "tpu.region"() ({
      %run_scoped3A = tpu.sem_alloc : memref<!tpu.dma_semaphore, #tpu.memory_space<semaphore_mem>>
      %dma_start3A_32 = tpu.memref_slice %arg10[%mul3A_2] : memref<4096xi32, #tpu.memory_space<hbm>> -> memref<128xi32, #tpu.memory_space<hbm>>
      %dma_start3A_33 = tpu.memref_slice %arg10[%mul3A_2] : memref<4096xi32, #tpu.memory_space<hbm>> -> memref<128xi32, #tpu.memory_space<hbm>>
      tpu.enqueue_dma source(%arg17 : memref<128xi32, #tpu.memory_space<vmem>>) target(%dma_start3A_33 : memref<128xi32, #tpu.memory_space<hbm>>) target_semaphore(%run_scoped3A : memref<!tpu.dma_semaphore, #tpu.memory_space<semaphore_mem>>)
      %dma_wait3A_34 = tpu.memref_slice %arg10[%mul3A_2] : memref<4096xi32, #tpu.memory_space<hbm>> -> memref<128xi32, #tpu.memory_space<hbm>>
      %dma_wait3A_35 = tpu.memref_slice %arg10[%mul3A_2] : memref<4096xi32, #tpu.memory_space<hbm>> -> memref<128xi32, #tpu.memory_space<hbm>>
      tpu.wait_dma2 semaphore(%run_scoped3A : memref<!tpu.dma_semaphore, #tpu.memory_space<semaphore_mem>>) src(%arg17 : memref<128xi32, #tpu.memory_space<vmem>>) dst(%dma_wait3A_35 : memref<128xi32, #tpu.memory_space<hbm>>)
      tpu.yield
    }) : () -> ()
    %dma_wait3A_29 = arith.constant 0 : i32
    %dma_wait3A_30 = arith.constant 0 : i32
    %dma_wait3A_31 = tpu.memref_slice %arg5[%dma_wait3A_29, %dma_wait3A_30] : memref<5000x32xf32, #tpu.memory_space<hbm>> -> memref<5000x32xf32, #tpu.memory_space<hbm>>
    tpu.wait_indirect_dma semaphore(%arg23 : memref<!tpu.dma_semaphore, #tpu.memory_space<semaphore_mem>>) src(%dma_wait3A_31 : memref<5000x32xf32, #tpu.memory_space<hbm>>) dst(%arg13 : memref<128x32xf32, #tpu.memory_space<vmem>>)
    "tpu.region"() ({
      %run_scoped3A = tpu.sem_alloc : memref<!tpu.dma_semaphore, #tpu.memory_space<semaphore_mem>>
      %dma_start3A_32 = arith.constant 0 : i32
      %dma_start3A_33 = tpu.memref_slice %arg6[%mul3A_2, %dma_start3A_32] : memref<4096x32xf32, #tpu.memory_space<hbm>> -> memref<128x32xf32, #tpu.memory_space<hbm>>
      %dma_start3A_34 = arith.constant 0 : i32
      %dma_start3A_35 = tpu.memref_slice %arg6[%mul3A_2, %dma_start3A_34] : memref<4096x32xf32, #tpu.memory_space<hbm>> -> memref<128x32xf32, #tpu.memory_space<hbm>>
      tpu.enqueue_dma source(%arg13 : memref<128x32xf32, #tpu.memory_space<vmem>>) target(%dma_start3A_35 : memref<128x32xf32, #tpu.memory_space<hbm>>) target_semaphore(%run_scoped3A : memref<!tpu.dma_semaphore, #tpu.memory_space<semaphore_mem>>)
      %dma_wait3A_36 = arith.constant 0 : i32
      %dma_wait3A_37 = tpu.memref_slice %arg6[%mul3A_2, %dma_wait3A_36] : memref<4096x32xf32, #tpu.memory_space<hbm>> -> memref<128x32xf32, #tpu.memory_space<hbm>>
      %dma_wait3A_38 = arith.constant 0 : i32
      %dma_wait3A_39 = tpu.memref_slice %arg6[%mul3A_2, %dma_wait3A_38] : memref<4096x32xf32, #tpu.memory_space<hbm>> -> memref<128x32xf32, #tpu.memory_space<hbm>>
      tpu.wait_dma2 semaphore(%run_scoped3A : memref<!tpu.dma_semaphore, #tpu.memory_space<semaphore_mem>>) src(%arg13 : memref<128x32xf32, #tpu.memory_space<vmem>>) dst(%dma_wait3A_39 : memref<128x32xf32, #tpu.memory_space<hbm>>)
      tpu.yield
    }) : () -> ()
    return
  }
}

module attributes {stable_mosaic.version = 14 : i64} {
  func.func @body(%arg0: i32, %arg1: memref<2000x64xf32, #tpu.memory_space<vmem>>, %arg2: memref<64x128xf32, #tpu.memory_space<vmem>>, %arg3: memref<2000x128xf32, #tpu.memory_space<vmem>>) attributes {dimension_semantics = [#tpu.dimension_semantics<arbitrary>], iteration_bounds = array<i64: 50>, scalar_prefetch = 0 : i64, scratch_operands = 0 : i64, tpu.core_type = #tpu.core_type<tc>, window_params = [{transform_indices = @transform_0, window_bounds = array<i64: 2000, 64>}, {pipeline_mode = #tpu.pipeline_mode<synchronous>, transform_indices = @transform_1, window_bounds = array<i64: 64, 128>}, {transform_indices = @transform_2, window_bounds = array<i64: 2000, 128>}]} {
    %get3A = arith.constant 0 : index
    %get3A_0 = arith.constant 0 : index
    %get3A_1 = vector.load %arg1[%get3A, %get3A_0] : memref<2000x64xf32, #tpu.memory_space<vmem>>, vector<2000x64xf32>
    %get3A_2 = arith.constant 0 : index
    %get3A_3 = arith.constant 0 : index
    %get3A_4 = vector.load %arg2[%get3A_2, %get3A_3] : memref<64x128xf32, #tpu.memory_space<vmem>>, vector<64x128xf32>
    %dot_general3A = arith.constant dense<0.000000e+00> : vector<2000x128xf32>
    %dot_general3A_5 = tpu.matmul %get3A_1, %get3A_4, %dot_general3A {dimension_numbers = #tpu.dot_dimension_numbers<[1], [0], [0], [1], [0, 0, 1, 1], [], []>, transpose_lhs_hint = false} : vector<2000x64xf32>, vector<64x128xf32>, vector<2000x128xf32> -> vector<2000x128xf32>
    %swap3A = arith.constant 0 : index
    %swap3A_6 = arith.constant 0 : index
    %swap3A_7 = vector.load %arg3[%swap3A, %swap3A_6] : memref<2000x128xf32, #tpu.memory_space<vmem>>, vector<2000x128xf32>
    tpu.vector_store %arg3[%swap3A, %swap3A_6], %dot_general3A_5 {strides = array<i32>} : memref<2000x128xf32, #tpu.memory_space<vmem>>, vector<2000x128xf32>,
    return
  }
  func.func @transform_0(%arg0: i32) -> (i32, i32) {
    %c0_i32 = arith.constant 0 : i32
    %c0_i32_0 = arith.constant 0 : i32
    return %arg0, %c0_i32 : i32, i32
  }
  func.func @transform_1(%arg0: i32) -> (i32, i32) {
    %c0_i32 = arith.constant 0 : i32
    %c0_i32_0 = arith.constant 0 : i32
    %c0_i32_1 = arith.constant 0 : i32
    return %c0_i32, %c0_i32_0 : i32, i32
  }
  func.func @transform_2(%arg0: i32) -> (i32, i32) {
    %c0_i32 = arith.constant 0 : i32
    %c0_i32_0 = arith.constant 0 : i32
    return %arg0, %c0_i32 : i32, i32
  }
}

module attributes {stable_mosaic.version = 14 : i64} {
  func.func @_tc_body(%arg0: i32, %arg1: memref<512x128xf32, #tpu.memory_space<vmem>>, %arg2: memref<512x32xf32, #tpu.memory_space<vmem>>, %arg3: memref<512x384xf32, #tpu.memory_space<vmem>>, %arg4: memref<512x1xi32, #tpu.memory_space<vmem>>, %arg5: memref<512x1xi32, #tpu.memory_space<vmem>>, %arg6: memref<512x1xi32, #tpu.memory_space<vmem>>, %arg7: memref<512x1xi32, #tpu.memory_space<vmem>>, %arg8: memref<512x64xf32, #tpu.memory_space<vmem>>, %arg9: memref<1x64xf32, #tpu.memory_space<vmem>>, %arg10: memref<32x32xf32, #tpu.memory_space<vmem>>, %arg11: memref<64x64xf32, #tpu.memory_space<vmem>>, %arg12: memref<1x64xf32, #tpu.memory_space<vmem>>, %arg13: memref<512x64xf32, #tpu.memory_space<vmem>>) attributes {dimension_semantics = [#tpu.dimension_semantics<arbitrary>], iteration_bounds = array<i64: 8>, scalar_prefetch = 0 : i64, scratch_operands = 0 : i64, tpu.core_type = #tpu.core_type<tc>, window_params = [{transform_indices = @transform_0, window_bounds = array<i64: 512, 128>}, {transform_indices = @transform_1, window_bounds = array<i64: 512, 32>}, {transform_indices = @transform_2, window_bounds = array<i64: 512, 384>}, {transform_indices = @transform_3, window_bounds = array<i64: 512, 1>}, {transform_indices = @transform_4, window_bounds = array<i64: 512, 1>}, {transform_indices = @transform_5, window_bounds = array<i64: 512, 1>}, {transform_indices = @transform_6, window_bounds = array<i64: 512, 1>}, {pipeline_mode = #tpu.pipeline_mode<synchronous>, transform_indices = @transform_7, window_bounds = array<i64: 512, 64>}, {pipeline_mode = #tpu.pipeline_mode<synchronous>, transform_indices = @transform_8, window_bounds = array<i64: 1, 64>}, {pipeline_mode = #tpu.pipeline_mode<synchronous>, transform_indices = @transform_9, window_bounds = array<i64: 32, 32>}, {pipeline_mode = #tpu.pipeline_mode<synchronous>, transform_indices = @transform_10, window_bounds = array<i64: 64, 64>}, {pipeline_mode = #tpu.pipeline_mode<synchronous>, transform_indices = @transform_11, window_bounds = array<i64: 1, 64>}, {transform_indices = @transform_12, window_bounds = array<i64: 512, 64>}]} {
    %get3A = arith.constant 64 : index
    %get3A_0 = arith.constant 0 : index
    %get3A_1 = vector.load %arg8[%get3A, %get3A_0] : memref<512x64xf32, #tpu.memory_space<vmem>>, vector<32x64xf32>
    %get3A_2 = arith.constant 0 : index
    %get3A_3 = arith.constant 0 : index
    %get3A_4 = vector.load %arg10[%get3A_2, %get3A_3] : memref<32x32xf32, #tpu.memory_space<vmem>>, vector<32x32xf32>
    %dot_general3A = arith.constant dense<0.000000e+00> : vector<32x64xf32>
    %dot_general3A_5 = tpu.matmul %get3A_4, %get3A_1, %dot_general3A {dimension_numbers = #tpu.dot_dimension_numbers<[1], [0], [0], [1], [0, 0, 1, 1], [], []>, transpose_lhs_hint = false} : vector<32x32xf32>, vector<32x64xf32>, vector<32x64xf32> -> vector<32x64xf32>
    %iota3A = tpu.iota {dimensions = array<i32: 1>} : vector<512x32xi32>
    %get3A_6 = arith.constant 0 : index
    %get3A_7 = arith.constant 0 : index
    %get3A_8 = vector.load %arg4[%get3A_6, %get3A_7] : memref<512x1xi32, #tpu.memory_space<vmem>>, vector<512x1xi32>
    %eq3A = vector.broadcast %get3A_8 : vector<512x1xi32> to vector<512x32xi32>
    %eq3A_9 = arith.cmpi eq, %eq3A, %iota3A : vector<512x32xi32>
    %jit3A = arith.constant 2.500000e-01 : f32
    %jit3A_10 = arith.constant 0.000000e+00 : f32
    %broadcast_in_dim3A = vector.broadcast %jit3A : f32 to vector<512x32xf32>
    %broadcast_in_dim3A_11 = vector.broadcast %jit3A_10 : f32 to vector<512x32xf32>
    %select_n3A = arith.select %eq3A_9, %broadcast_in_dim3A, %broadcast_in_dim3A_11 : vector<512x32xi1>, vector<512x32xf32>
    %get3A_12 = arith.constant 0 : index
    %get3A_13 = arith.constant 0 : index
    %get3A_14 = vector.load %arg5[%get3A_12, %get3A_13] : memref<512x1xi32, #tpu.memory_space<vmem>>, vector<512x1xi32>
    %eq3A_15 = vector.broadcast %get3A_14 : vector<512x1xi32> to vector<512x32xi32>
    %eq3A_16 = arith.cmpi eq, %eq3A_15, %iota3A : vector<512x32xi32>
    %jit3A_17 = arith.constant 2.500000e-01 : f32
    %jit3A_18 = arith.constant 0.000000e+00 : f32
    %broadcast_in_dim3A_19 = vector.broadcast %jit3A_17 : f32 to vector<512x32xf32>
    %broadcast_in_dim3A_20 = vector.broadcast %jit3A_18 : f32 to vector<512x32xf32>
    %select_n3A_21 = arith.select %eq3A_16, %broadcast_in_dim3A_19, %broadcast_in_dim3A_20 : vector<512x32xi1>, vector<512x32xf32>
    %add3A = arith.addf %select_n3A, %select_n3A_21 : vector<512x32xf32>
    %get3A_22 = arith.constant 0 : index
    %get3A_23 = arith.constant 0 : index
    %get3A_24 = vector.load %arg6[%get3A_22, %get3A_23] : memref<512x1xi32, #tpu.memory_space<vmem>>, vector<512x1xi32>
    %eq3A_25 = vector.broadcast %get3A_24 : vector<512x1xi32> to vector<512x32xi32>
    %eq3A_26 = arith.cmpi eq, %eq3A_25, %iota3A : vector<512x32xi32>
    %jit3A_27 = arith.constant 2.500000e-01 : f32
    %jit3A_28 = arith.constant 0.000000e+00 : f32
    %broadcast_in_dim3A_29 = vector.broadcast %jit3A_27 : f32 to vector<512x32xf32>
    %broadcast_in_dim3A_30 = vector.broadcast %jit3A_28 : f32 to vector<512x32xf32>
    %select_n3A_31 = arith.select %eq3A_26, %broadcast_in_dim3A_29, %broadcast_in_dim3A_30 : vector<512x32xi1>, vector<512x32xf32>
    %add3A_32 = arith.addf %add3A, %select_n3A_31 : vector<512x32xf32>
    %get3A_33 = arith.constant 0 : index
    %get3A_34 = arith.constant 0 : index
    %get3A_35 = vector.load %arg7[%get3A_33, %get3A_34] : memref<512x1xi32, #tpu.memory_space<vmem>>, vector<512x1xi32>
    %eq3A_36 = vector.broadcast %get3A_35 : vector<512x1xi32> to vector<512x32xi32>
    %eq3A_37 = arith.cmpi eq, %eq3A_36, %iota3A : vector<512x32xi32>
    %jit3A_38 = arith.constant 2.500000e-01 : f32
    %jit3A_39 = arith.constant 0.000000e+00 : f32
    %broadcast_in_dim3A_40 = vector.broadcast %jit3A_38 : f32 to vector<512x32xf32>
    %broadcast_in_dim3A_41 = vector.broadcast %jit3A_39 : f32 to vector<512x32xf32>
    %select_n3A_42 = arith.select %eq3A_37, %broadcast_in_dim3A_40, %broadcast_in_dim3A_41 : vector<512x32xi1>, vector<512x32xf32>
    %add3A_43 = arith.addf %add3A_32, %select_n3A_42 : vector<512x32xf32>
    %get3A_44 = arith.constant 0 : index
    %get3A_45 = arith.constant 0 : index
    %get3A_46 = vector.load %arg1[%get3A_44, %get3A_45] : memref<512x128xf32, #tpu.memory_space<vmem>>, vector<512x64xf32>
    %dot_general3A_47 = arith.constant dense<0.000000e+00> : vector<512x64xf32>
    %dot_general3A_48 = tpu.matmul %add3A_43, %dot_general3A_5, %dot_general3A_47 {dimension_numbers = #tpu.dot_dimension_numbers<[1], [0], [0], [1], [0, 0, 1, 1], [], []>, transpose_lhs_hint = false} : vector<512x32xf32>, vector<32x64xf32>, vector<512x64xf32> -> vector<512x64xf32>
    %add3A_49 = arith.addf %get3A_46, %dot_general3A_48 : vector<512x64xf32>
    %get3A_50 = arith.constant 0 : index
    %get3A_51 = arith.constant 0 : index
    %get3A_52 = vector.load %arg2[%get3A_50, %get3A_51] : memref<512x32xf32, #tpu.memory_space<vmem>>, vector<512x32xf32>
    %get3A_53 = arith.constant 96 : index
    %get3A_54 = arith.constant 0 : index
    %get3A_55 = vector.load %arg8[%get3A_53, %get3A_54] : memref<512x64xf32, #tpu.memory_space<vmem>>, vector<32x64xf32>
    %dot_general3A_56 = arith.constant dense<0.000000e+00> : vector<512x64xf32>
    %dot_general3A_57 = tpu.matmul %get3A_52, %get3A_55, %dot_general3A_56 {dimension_numbers = #tpu.dot_dimension_numbers<[1], [0], [0], [1], [0, 0, 1, 1], [], []>, transpose_lhs_hint = false} : vector<512x32xf32>, vector<32x64xf32>, vector<512x64xf32> -> vector<512x64xf32>
    %add3A_58 = arith.addf %add3A_49, %dot_general3A_57 : vector<512x64xf32>
    %get3A_59 = arith.constant 0 : index
    %get3A_60 = arith.constant 0 : index
    %get3A_61 = vector.load %arg3[%get3A_59, %get3A_60] : memref<512x384xf32, #tpu.memory_space<vmem>>, vector<512x384xf32>
    %get3A_62 = arith.constant 128 : index
    %get3A_63 = arith.constant 0 : index
    %get3A_64 = vector.load %arg8[%get3A_62, %get3A_63] : memref<512x64xf32, #tpu.memory_space<vmem>>, vector<384x64xf32>
    %dot_general3A_65 = arith.constant dense<0.000000e+00> : vector<512x64xf32>
    %dot_general3A_66 = tpu.matmul %get3A_61, %get3A_64, %dot_general3A_65 {dimension_numbers = #tpu.dot_dimension_numbers<[1], [0], [0], [1], [0, 0, 1, 1], [], []>, transpose_lhs_hint = false} : vector<512x384xf32>, vector<384x64xf32>, vector<512x64xf32> -> vector<512x64xf32>
    %add3A_67 = arith.addf %add3A_58, %dot_general3A_66 : vector<512x64xf32>
    %get3A_68 = arith.constant 0 : index
    %get3A_69 = arith.constant 0 : index
    %get3A_70 = vector.load %arg9[%get3A_68, %get3A_69] : memref<1x64xf32, #tpu.memory_space<vmem>>, vector<1x64xf32>
    %add3A_71 = vector.broadcast %get3A_70 : vector<1x64xf32> to vector<512x64xf32>
    %add3A_72 = arith.addf %add3A_67, %add3A_71 : vector<512x64xf32>
    %max3A = arith.constant 0.000000e+00 : f32
    %max3A_73 = vector.broadcast %max3A : f32 to vector<512x64xf32>
    %max3A_74 = arith.maximumf %add3A_72, %max3A_73 : vector<512x64xf32>
    %get3A_75 = arith.constant 0 : index
    %get3A_76 = arith.constant 0 : index
    %get3A_77 = vector.load %arg11[%get3A_75, %get3A_76] : memref<64x64xf32, #tpu.memory_space<vmem>>, vector<64x64xf32>
    %dot_general3A_78 = arith.constant dense<0.000000e+00> : vector<512x64xf32>
    %dot_general3A_79 = tpu.matmul %max3A_74, %get3A_77, %dot_general3A_78 {dimension_numbers = #tpu.dot_dimension_numbers<[1], [0], [0], [1], [0, 0, 1, 1], [], []>, transpose_lhs_hint = false} : vector<512x64xf32>, vector<64x64xf32>, vector<512x64xf32> -> vector<512x64xf32>
    %get3A_80 = arith.constant 0 : index
    %get3A_81 = arith.constant 0 : index
    %get3A_82 = vector.load %arg12[%get3A_80, %get3A_81] : memref<1x64xf32, #tpu.memory_space<vmem>>, vector<1x64xf32>
    %add3A_83 = vector.broadcast %get3A_82 : vector<1x64xf32> to vector<512x64xf32>
    %add3A_84 = arith.addf %dot_general3A_79, %add3A_83 : vector<512x64xf32>
    %swap3A = arith.constant 0 : index
    %swap3A_85 = arith.constant 0 : index
    %swap3A_86 = vector.load %arg13[%swap3A, %swap3A_85] : memref<512x64xf32, #tpu.memory_space<vmem>>, vector<512x64xf32>
    tpu.vector_store %arg13[%swap3A, %swap3A_85], %add3A_84 {strides = array<i32>} : memref<512x64xf32, #tpu.memory_space<vmem>>, vector<512x64xf32>,
    return
  }
  func.func @transform_0(%arg0: i32) -> (i32, i32) {
    %c0_i32 = arith.constant 0 : i32
    %c0_i32_0 = arith.constant 0 : i32
    return %arg0, %c0_i32 : i32, i32
  }
  func.func @transform_1(%arg0: i32) -> (i32, i32) {
    %c0_i32 = arith.constant 0 : i32
    %c0_i32_0 = arith.constant 0 : i32
    return %arg0, %c0_i32 : i32, i32
  }
  func.func @transform_2(%arg0: i32) -> (i32, i32) {
    %c0_i32 = arith.constant 0 : i32
    %c0_i32_0 = arith.constant 0 : i32
    return %arg0, %c0_i32 : i32, i32
  }
  func.func @transform_3(%arg0: i32) -> (i32, i32) {
    %c0_i32 = arith.constant 0 : i32
    %c0_i32_0 = arith.constant 0 : i32
    return %arg0, %c0_i32 : i32, i32
  }
  func.func @transform_4(%arg0: i32) -> (i32, i32) {
    %c0_i32 = arith.constant 0 : i32
    %c0_i32_0 = arith.constant 0 : i32
    return %arg0, %c0_i32 : i32, i32
  }
  func.func @transform_5(%arg0: i32) -> (i32, i32) {
    %c0_i32 = arith.constant 0 : i32
    %c0_i32_0 = arith.constant 0 : i32
    return %arg0, %c0_i32 : i32, i32
  }
  func.func @transform_6(%arg0: i32) -> (i32, i32) {
    %c0_i32 = arith.constant 0 : i32
    %c0_i32_0 = arith.constant 0 : i32
    return %arg0, %c0_i32 : i32, i32
  }
  func.func @transform_7(%arg0: i32) -> (i32, i32) {
    %c0_i32 = arith.constant 0 : i32
    %c0_i32_0 = arith.constant 0 : i32
    %c0_i32_1 = arith.constant 0 : i32
    return %c0_i32, %c0_i32_0 : i32, i32
  }
  func.func @transform_8(%arg0: i32) -> (i32, i32) {
    %c0_i32 = arith.constant 0 : i32
    %c0_i32_0 = arith.constant 0 : i32
    %c0_i32_1 = arith.constant 0 : i32
    return %c0_i32, %c0_i32_0 : i32, i32
  }
  func.func @transform_9(%arg0: i32) -> (i32, i32) {
    %c0_i32 = arith.constant 0 : i32
    %c0_i32_0 = arith.constant 0 : i32
    %c0_i32_1 = arith.constant 0 : i32
    return %c0_i32, %c0_i32_0 : i32, i32
  }
  func.func @transform_10(%arg0: i32) -> (i32, i32) {
    %c0_i32 = arith.constant 0 : i32
    %c0_i32_0 = arith.constant 0 : i32
    %c0_i32_1 = arith.constant 0 : i32
    return %c0_i32, %c0_i32_0 : i32, i32
  }
  func.func @transform_11(%arg0: i32) -> (i32, i32) {
    %c0_i32 = arith.constant 0 : i32
    %c0_i32_0 = arith.constant 0 : i32
    %c0_i32_1 = arith.constant 0 : i32
    return %c0_i32, %c0_i32_0 : i32, i32
  }
  func.func @transform_12(%arg0: i32) -> (i32, i32) {
    %c0_i32 = arith.constant 0 : i32
    %c0_i32_0 = arith.constant 0 : i32
    return %arg0, %c0_i32 : i32, i32
  }
}

</mosaic_0001>

<sc_bundles>
// kernel: kernel.6.cloned.1.call-start
scs
__scs_entry_jumppad:
0x0: {  	(pc) =	sbr.rel $0x88, $3  }
0x1: {  	(tag) =	ssettag $0x0;
	lr =	simm.s32 $0x1  }
0x2: {  	[smem:$0x3F96] =	sst lr;
	_ =	strace $0xD0000000  }
0x3: {  	_ = 	snop  }
0x4: {  	_ = 	snop  }
0x5: {  	_ = 	snop  }
0x6: {  	_ = 	snop  }
0x7: {  	_ = 	snop  }
__scs_overlays_trampoline_lowered:
0x8: {  	[smem:$0x3FA5] =	sst s0  }
0x9: {  	[smem:$0x3FA6] =	sst s1  }
0xa: {  	[smem:$0x3FA7] =	sst s2  }
0xb: {  	[smem:$0x3FA8] =	sst s3  }
0xc: {  	[smem:$0x3FA9] =	sst s4  }
0xd: {  	[smem:$0x3FAA] =	sst s5  }
0xe: {  	[smem:$0x3FAB] =	sst s6  }
0xf: {  	[smem:$0x3FAC] =	sst s7  }
0x10: {  	[smem:$0x3FAD] =	sst s8  }
0x11: {  	[smem:$0x3FAE] =	sst s9;
	s0 =	simm.s32 @!p0 $0x0  }
0x12: {  	s1 =	sld [smem:$0x3F94];
	s0 =	simm.s32 @p0 $0x1  }
0x13: {  	[smem:$0x3FAF] =	sst s0;
	s0 =	simm.s32 @!p1 $0x0  }
0x14: {  	s2 =	sld [smem:$0x3F93];
	s0 =	simm.s32 @p1 $0x1  }
0x15: {  	[smem:$0x3FB0] =	sst s0;
	s0 =	simm.s32 @!p2 $0x0  }
0x16: {  	s3 =	sld [smem:$0x3FDB];
	s0 =	simm.s32 @p2 $0x1  }
0x17: {  	s4 =	simm.s32 $0x1BF5;
	[smem:$0x3FB2] =	sst s0  }
0x18: {  	s0 =	sld [smem:$0x3F95];
	_ =	swait.ge [sflag:s4], $0x0  }
0x19: {  	s7 =	sld [smem:$0x3F96]  }
0x1a: {  	s8 =	sadd.s32 $0xFFFFE003, lr  }
0x1b: {  	s9 =	sadd.s32 $0xFFFFFEF7, lr;
	s5 =	simm.s32 $0xFFFFFFFF;
	p2 =	slt.u32 s8, $0xFFFFF086  }
0x1c: {  	p1 =	slt.u32 s9, $0xF7A;
	s5 =	simm.s32 @!p2 $0x0  }
0x1d: {  	s5 =	simm.s32 @p1 $0x1;
	p0 =	seq.s32 s7, s2  }
0x1e: {  	s7 =	smul.u32 @!p0 $0xF7A, s2;
	p2 =	seq.s32 @!p0 s5, $0x0  }
0x1f: {  	s9 =	smul.u32 $0xF7A, s1;
	s8 =	simm.s32 @!p0 $0x1BF5;
	p2 =	por !p2, p0  }
0x20: {  	[sflag:s8] =	ssyncset.s32 @!p0 $0xFFFFF086;
	s6 =	sadd.s32 @!p0 s3, s7;
	s7 =	simm.s32 @!p0 $0x108  }
0x21: {  	s3 =	sadd.s32 s3, s9;
	s6 =	sadd.s32 @!p0 $0x88, s6;
	s7 =	simm.s32 @p2 $0x1082  }
0x22: {  	[simem:s7], [sflag:s8] =	dma.local @!p0 [hbm:s6], $0xF7A  }
0x23: {  	s9 =	sor.u32 $0xD0000000, s2;
	s6 =	simm.s32 $0x108;
	_ =	swait.ge @!p0 [sflag:s8], $0x0  }
0x24: {  	s3 =	sadd.s32 $0x88, s3;
	s6 =	simm.s32 @!p1 $0x1082;
	[sflag:s4] =	ssyncset.s32 $0xFFFFF086  }
0x25: {  	[simem:s6], [sflag:s4] =	dma.local [hbm:s3], $0xF7A  }
0x26: {  	[smem:$0x3F96] =	sst s1;
	(tag) =	ssettag s2;
	_ =	strace s9  }
0x27: {  	s1 =	sld [smem:$0x3FA6]  }
0x28: {  	s2 =	sld [smem:$0x3FA7]  }
0x29: {  	s4 =	sld [smem:$0x3FA9]  }
0x2a: {  	p0 =	seq.s32 s5, $0x0;
	s5 =	sld [smem:$0x3FAA]  }
0x2b: {  	s6 =	sld [smem:$0x3FAB]  }
0x2c: {  	s7 =	sld [smem:$0x3FAC]  }
0x2d: {  	s3 =	simm.s32 $0x108;
	s8 =	sld [smem:$0x3FAD]  }
0x2e: {  	s3 =	simm.s32 @!p0 $0x1082;
	s9 =	sld [smem:$0x3FAE]  }
0x2f: {  	lr =	sadd.s32 s0, s3;
	s0 =	sld [smem:$0x3FA5]  }
0x30: {  	s3 =	sld [smem:$0x3FA8]  }
0x31: {  	[smem:$0x3FB1] =	sst s10  }
0x32: {  	s10 =	sld [smem:$0x3FAF];
	_ =	sdelay $0x3  }
0x33: {  	p0 =	seq.s32 s10, $0x1;
	s10 =	sld [smem:$0x3FB1];
	_ =	sdelay $0x3  }
0x34: {  	[smem:$0x3FB1] =	sst s10  }
0x35: {  	s10 =	sld [smem:$0x3FB0];
	_ =	sdelay $0x3  }
0x36: {  	p1 =	seq.s32 s10, $0x1;
	s10 =	sld [smem:$0x3FB1];
	_ =	sdelay $0x3  }
0x37: {  	[smem:$0x3FB1] =	sst s10  }
0x38: {  	s10 =	sld [smem:$0x3FB2]  }
0x39: {  	_ = 	snop;
	(pc) =	sbr.ind lr, $3  }
0x3a: {  	_ = 	snop  }
0x3b: {  	_ = 	snop  }
0x3c: {  	p2 =	seq.s32 s10, $0x1;
	s10 =	sld [smem:$0x3FB1]  }
0x3d: {  	_ =	shalt  }
0x3e: {  	_ =	shalt  }
0x3f: {  	_ =	shalt  }
0x40: {  	_ =	shalt  }
0x41: {  	_ =	shalt  }
0x42: {  	_ =	shalt  }
0x43: {  	_ =	shalt  }
0x44: {  	_ =	shalt  }
0x45: {  	_ =	shalt  }
0x46: {  	_ =	shalt  }
0x47: {  	_ =	shalt  }
0x48: {  	_ =	shalt  }
0x49: {  	_ =	shalt  }
0x4a: {  	_ =	shalt  }
0x4b: {  	_ =	shalt  }
0x4c: {  	_ =	shalt  }
0x4d: {  	_ =	shalt  }
0x4e: {  	_ =	shalt  }
0x4f: {  	_ =	shalt  }
0x50: {  	_ =	shalt  }
0x51: {  	_ =	shalt  }
0x52: {  	_ =	shalt  }
0x53: {  	_ =	shalt  }
0x54: {  	_ =	shalt  }
0x55: {  	_ =	shalt  }
0x56: {  	_ =	shalt  }
0x57: {  	_ =	shalt  }
0x58: {  	_ =	shalt  }
0x59: {  	_ =	shalt  }
0x5a: {  	_ =	shalt  }
0x5b: {  	_ =	shalt  }
0x5c: {  	_ =	shalt  }
0x5d: {  	_ =	shalt  }
0x5e: {  	_ =	shalt  }
0x5f: {  	_ =	shalt  }
0x60: {  	_ =	shalt  }
0x61: {  	_ =	shalt  }
0x62: {  	_ =	shalt  }
0x63: {  	_ =	shalt  }
0x64: {  	_ =	shalt  }
0x65: {  	_ =	shalt  }
0x66: {  	_ =	shalt  }
0x67: {  	_ =	shalt  }
0x68: {  	_ =	shalt  }
0x69: {  	_ =	shalt  }
0x6a: {  	_ =	shalt  }
0x6b: {  	_ =	shalt  }
0x6c: {  	_ =	shalt  }
0x6d: {  	_ =	shalt  }
0x6e: {  	_ =	shalt  }
0x6f: {  	_ =	shalt  }
0x70: {  	_ =	shalt  }
0x71: {  	_ =	shalt  }
0x72: {  	_ =	shalt  }
0x73: {  	_ =	shalt  }
0x74: {  	_ =	shalt  }
0x75: {  	_ =	shalt  }
0x76: {  	_ =	shalt  }
0x77: {  	_ =	shalt  }
0x78: {  	_ =	shalt  }
0x79: {  	_ =	shalt  }
0x7a: {  	_ =	shalt  }
0x7b: {  	_ =	shalt  }
0x7c: {  	_ =	shalt  }
0x7d: {  	_ =	shalt  }
0x7e: {  	_ =	shalt  }
0x7f: {  	_ =	shalt  }
0x80: {  	_ =	shalt  }
0x81: {  	_ =	shalt  }
0x82: {  	_ =	shalt  }
0x83: {  	_ =	shalt  }
0x84: {  	_ =	shalt  }
0x85: {  	_ =	shalt  }
0x86: {  	_ =	shalt  }
0x87: {  	_ =	shalt  }
.Lfunc_end0:
.L_simem_size_0:
called_computation_lowered:
.L_overlay_start_0:
0x88: {  	s2 =	sld [smem:$0x3FD9]  }
0x89: {  	s3 =	sld [smem:$0x3FFE];
	_ =	sdelay $0x1  }
0x8a: {  	s1 =	srdreg.scid  }
0x8b: {  	s0 =	sand.u32 $0x1, s1  }
0x8c: {  	s17 =	sshll.u32 s0, $0xA;
	s2 =	sadd.s32 s3, s2  }
0x8d: {  	s2 =	sadd.s32 s2, s17  }
0x8e: {  	[smem:$0x3FBD] =	sst s2  }
0x8f: {  	_ = 	snop  }
0x90: {  	s18 =	sld [smem:$0x3FC9]  }
0x91: {  	s4 =	sld [smem:$0x3FC6];
	(tm) =	ssettm $0x1  }
0x92: {  	s19 =	sld [smem:$0x3FFB];
	_ =	sdelay $0x3  }
0x93: {  	_ =	strace s19  }
0x94: {  	s2 =	sld [smem:$0x3FFC];
	_ =	sdelay $0x3  }
0x95: {  	_ =	strace s2  }
0x96: {  	s2 =	sld [smem:$0x3FFD];
	_ =	sdelay $0x3  }
0x97: {  	_ =	strace s2  }
0x98: {  	_ =	strace $0x8FFFFFFF  }
0x99: {  	s20 =	sld [smem:$0x3FDB];
	_ =	sdelay $0x1  }
0x9a: {  	s5 =	simm.s32 $_scs_section_size  }
0x9b: {  	s6 =	simm.s32 $_size__tile_overlayer_lowered;
	s7 =	simm.s32 $_tile_overlayer_lowered  }
0x9c: {  	s8 =	simm.s32 $0x1BFF;
	s21 =	sshll.u32 s7, $0x1;
	s5 =	sadd.s32 s5, s20  }
0x9d: {  	s22 =	simm.s32 $0x0;
	s6 =	sshll.u32 s6, $0x1;
	s7 =	sadd.s32 s21, s5  }
0x9e: {  	[timem:s22], [sflag:s8] =	dma.local [hbm:s7], s6  }
0x9f: {  	_ =	swait.ge [sflag:s8], s6  }
0xa0: {  	s6 =	ssub.s32 $0x0, s6;
	[sflag:s8] =	ssyncset.done $0x0  }
0xa1: {  	[sflag:s8] =	ssyncadd.s32 s6;
	_ =	sdelay $0x1  }
0xa2: {  	s23 =	simm.s32 $0x1B8B  }
0xa3: {  	_ =	swait.ge [sflag:s23], $0x1  }
0xa4: {  	[sflag:s23] =	ssyncset.done $0x0  }
0xa5: {  	[sflag:s23] =	ssyncadd.s32 $0xFFFFFFFF  }
0xa6: {  	s6 =	sld [smem:$0x0]  }
0xa7: {  	s7 =	sand.u32 $0xFFFFFFFE, s1  }
0xa8: {  	p0 =	sne.s32 s1, s7  }
0xa9: {  	s7 =	sshll.u32 @p0 s7, $0xE  }
0xaa: {  	s7 =	sadd.s32 @p0 $0x11B8D, s7;
	s8 =	sshll.u32 @p0 s6, $0x11  }
0xab: {  	s7 =	sor.u32 @p0 s8, s7  }
0xac: {  	[sflag:s7] =	ssyncadd.remote.s32 @p0 $0x1;
	_ =	sdelay $0x1  }
0xad: {  	s7 =	simm.s32 @p0 $0x1B8D  }
0xae: {  	_ =	swait.eq @p0 [sflag:s7], $0x1  }
0xaf: {  	[sflag:s7] =	ssyncadd.s32 @p0 $0xFFFFFFFF  }
0xb0: {  	s8 =	sshll.u32 @!p0 s1, $0xE  }
0xb1: {  	s8 =	sor.u32 @!p0 $0x4000, s8;
	s7 =	simm.s32 @!p0 $0x1B8D  }
0xb2: {  	s6 =	sshll.u32 @!p0 s6, $0x11;
	s8 =	sadd.s32 @!p0 $0x11B8D, s8;
	_ =	swait.eq @!p0 [sflag:s7], $0x1  }
0xb3: {  	s6 =	sor.u32 @!p0 s6, s8;
	[sflag:s7] =	ssyncadd.s32 @!p0 $0xFFFFFFFF  }
0xb4: {  	s25 =	simm.s32 $0x1B8E;
	s24 =	sld [smem:$0x3FFE];
	[sflag:s6] =	ssyncadd.remote.s32 @!p0 $0x1  }
0xb5: {  	s26 =	simm.s32 $execute0_lowered;
	[smem:$0x3FD2] =	sst s25  }
0xb6: {  	s7 =	sshll.u32 s26, $0x1;
	_ =	strace $0x80000049;
	[dreg:$0x1] =	wrdreg $0xFFFFFFFF  }
0xb7: {  	s28 =	simm.s32 $_size_execute0_lowered;
	s5 =	sadd.s32 s5, s7;
	[dreg:$0x0] =	wrdreg $0x0  }
0xb8: {  	s7 =	sshll.u32 s28, $0x1;
	[dreg:$0x2] =	wrdreg s5  }
0xb9: {  	[dreg:$0x3] =	wrdreg s7  }
0xba: {  	[dreg:$0x4] =	wrdreg $0xC0  }
0xbb: {  	_ =	task [dreg:s22], $0x5FFFF  }
0xbc: {  	[dreg:$0x1] =	wrdreg $0xFFFFFFFF  }
0xbd: {  	[dreg:$0x0] =	wrdreg $0x60  }
0xbe: {  	[dreg:$0x2] =	wrdreg s18  }
0xbf: {  	[dreg:$0x3] =	wrdreg s4  }
0xc0: {  	[dreg:$0x4] =	wrdreg s24  }
0xc1: {  	[dreg:$0x5] =	wrdreg $0x9  }
0xc2: {  	_ =	task.clear_ibuf [dreg:s22], $0x6FFFF;
	_ =	strace $0x90000049  }
0xc3: {  	s29 =	simm.s32 $0x9;
	_ =	strace $0x8000004B  }
0xc4: {  	_ =	swait.ge [sflag:s29], $0x1  }
0xc5: {  	[sflag:s29] =	ssyncadd.s32 $0xFFFFFFFF  }
0xc6: {  	_ =	strace $0x9000004B  }
0xc7: {  	_ =	sfence  }
0xc8: {  	s30 =	sld [smem:$0x0];
	_ =	sdelay $0x2  }
0xc9: {  	s31 =	sshll.u32 s1, $0xD;
	s1 =	sshrl.u32 s1, $0x2  }
0xca: {  	s4 =	sand.u32 $0x4000, s31;
	s1 =	sadd.s32 s1, s30  }
0xcb: {  	s0 =	sor.u32 s4, s0;
	s1 =	sshll.u32 s1, $0x11  }
0xcc: {  	s0 =	sor.u32 s1, s0  }
0xcd: {  	s0 =	sadd.s32 $0x8F2B, s0  }
0xce: {  	[sflag:s0] =	ssyncadd.remote.s32 $0x1  }
0xcf: {  	_ =	sfence.sel $0xFFFF  }
0xd0: {  	[dreg:$0x0] =	wrdreg $0xFFFFFFFF;
	(pc) =	sbr.abs _section_cstart, $3  }
0xd1: {  	[dreg:$0x1] =	wrdreg $0xFFFFFFFF  }
0xd2: {  	_ =	task.clear_ibuf [dreg:s22], $0x2FFFF;
	_ =	strace $0x9FFFFFFF  }
0xd3: {  	(tm) =	ssettm $0x7FFFFFFF  }
tec
execute0_lowered:
.L_overlay_start_1:
0x0: {  	(tag) =	ssettag $0x1  }
0x1: {  	s0 =	rddreg [dreg:$0x0]  }
0x2: {  	s2 =	rddreg [dreg:$0x1]  }
0x3: {  	s4 =	rddreg [dreg:$0x2]  }
0x4: {  	s3 =	srdreg.scid;
	s1 =	stileid.u32;
	s16 =	simm.s32 $0x880  }
0x5: {  	s17 =	simm.s32 $0xC80;
	s5 =	sand.u32 $0x1, s3;
	s3 =	simm.s32 $0x0  }
0x6: {  	s18 =	simm.s32 $0x1480;
	s8 =	sadd.s32 $0x31DC00, s4;
	[smem:$0x7FF] =	sst s3  }
0x7: {  	s19 =	simm.s32 $0x1880;
	_ =	strace $0x8000004A;
	[dreg:$0x4] =	wrdreg s8  }
0x8: {  	s20 =	simm.s32 $0x2080;
	s22 =	simm.s32 $0x2480;
	[dreg:$0x8] =	wrdreg s16  }
0x9: {  	s23 =	simm.s32 $0x2C80;
	s24 =	simm.s32 $0x3080;
	[dreg:$0x9] =	wrdreg s17  }
0xa: {  	s25 =	simm.s32 $0x3880;
	s26 =	simm.s32 $0x3C80;
	[dreg:$0xa] =	wrdreg s18  }
0xb: {  	s10 =	simm.s32 $0x5080;
	s11 =	simm.s32 $0x5480;
	[dreg:$0xb] =	wrdreg s19  }
0xc: {  	s12 =	simm.s32 $0x5C80;
	s13 =	simm.s32 $0x6080;
	[dreg:$0xc] =	wrdreg s20  }
0xd: {  	s28 =	simm.s32 $0xB480;
	s29 =	simm.s32 $0xBC80;
	[dreg:$0xd] =	wrdreg s22  }
0xe: {  	s30 =	simm.s32 $0xC080;
	s31 =	simm.s32 $0x2;
	[dreg:$0xe] =	wrdreg s23  }
0xf: {  	s6 =	sshll.u32 s1, $0x8;
	s7 =	sshll.u32 s5, $0x7;
	[dreg:$0xf] =	wrdreg s24  }
0x10: {  	s21 =	ssub.s32 $0x2, s5;
	s6 =	sor.u32 s7, s6;
	[dreg:$0x10] =	wrdreg s25  }
0x11: {  	s5 =	sshrl.u32 s21, $0x1;
	[dreg:$0x11] =	wrdreg s26;
	s16 =	simm.s32 $0x7480  }
0x12: {  	s17 =	simm.s32 $0x7880;
	s18 =	simm.s32 $0x8080;
	s19 =	simm.s32 $0x8480  }
0x13: {  	s20 =	simm.s32 $0x8C80;
	s22 =	simm.s32 $0x9880;
	s23 =	simm.s32 $0x9C80  }
0x14: {  	s24 =	simm.s32 $0xA480;
	s25 =	simm.s32 $0xA880;
	s26 =	simm.s32 $0xB080  }
0x15: {  	s7 =	sshrl.u32 s6, $0x3;
	s6 =	sshll.u32 s6, $0x4;
	s5 =	ssub.s32 s21, s5  }
0x16: {  	s21 =	simm.s32 $0x9080;
	s9 =	smul.u32 $0x180, s7;
	s6 =	sadd.s32 s6, s4  }
0x17: {  	s0 =	sadd.s32 s0, s7;
	s5 =	smax.u32 s5, $0x1;
	s7 =	simm.s32 $0x80  }
0x18: {  	[dreg:$0x5] =	wrdreg s0;
	s14 =	sadd.s32 $0x3AC00, s6;
	s6 =	simm.s32 $0x3  }
0x19: {  	v2 =	vlaneseq.u32;
	s0 =	simm.s32 $0x1;
	s4 =	sadd.s32 s9, s4;
	[dreg:$0x6] =	wrdreg s14  }
0x1a: {  	vm0 =	vmmov $0xffff;
	vm1 =	vmmov $0xff;
	v1 =	vshrl.u32 v2, $0x3;
	s9 =	simm.s32 $0x4880;
	s14 =	simm.s32 $0x6880;
	s15 =	sadd.s32 $0xAC00, s4  }
0x1b: {  	v0 =	vand.u32 $0x7, v2;
	v2 =	vor.u32 $0x8, v2;
	v1 =	vmul.u32 $0x8, v1;
	s4 =	sadd.s32 $0x100, s2;
	[dreg:$0x7] =	wrdreg s15;
	s15 =	simm.s32 $0x6C80  }
.LBB2_1:
0x1c: {  	s1 =	rddreg [dreg:$0x5]  }
0x1d: {  	[tilespmem:s3], [sflag:$0x3] =	stream.linear.gather [hbm4b:s1+s3], $0x80, $0x38;
	[tilespmem:$0x10080] =	vst v63  }
0x1e: {  	_ =	swait.ge [sflag:s6], $0x80  }
0x1f: {  	[sflag:s6] =	ssyncset.done $0x0  }
0x20: {  	[sflag:s6] =	ssyncadd.s32 $0xFFFFFF80  }
0x21: {  	v3 =	vld [tilespmem:$0x0];
	_ =	sdelay $0x4  }
0x22: {  	v4 =	vshrl.u32 v3, $0x3  }
0x23: {  	v4 =	vmul.u32 $0x18, v4  }
0x24: {  	v3 =	vand.u32 $0x7, v3  }
0x25: {  	v3 =	vor.u32 v3, v4  }
0x26: {  	v4 =	vperm.xlane v3, v0;
	_ =	sdelay $0x1  }
0x27: {  	v4 =	vadd.s32 v1, v4;
	_ =	sdelay $0x1  }
0x28: {  	v3 =	vperm.xlane v3, v2;
	_ =	sdelay $0x1  }
0x29: {  	v3 =	vadd.s32 v1, v3  }
0x2a: {  	[tilespmem:s7], [sflag:$0x1] =	stream.indirect_vreg.gather [hbm4b:s2+s3], $0x80, v4, vm0, $0xb8;
	[tilespmem:$0x10080] =	vst v63  }
0x2b: {  	s1 =	rddreg [dreg:$0x8]  }
0x2c: {  	[tilespmem:s1], [sflag:$0x1] =	stream.indirect_vreg.gather [hbm4b:s4+s3], $0x80, v4, vm1, $0xb8;
	[tilespmem:$0x10080] =	vst v63  }
0x2d: {  	s8 =	rddreg [dreg:$0x9]  }
0x2e: {  	[tilespmem:s8], [sflag:$0x1] =	stream.indirect_vreg.gather [hbm4b:s2+s3], $0x80, v3, vm0, $0xb8;
	[tilespmem:$0x10080] =	vst v63  }
0x2f: {  	s1 =	rddreg [dreg:$0xa]  }
0x30: {  	[tilespmem:s1], [sflag:$0x1] =	stream.indirect_vreg.gather [hbm4b:s4+s3], $0x80, v3, vm1, $0xb8;
	[tilespmem:$0x10080] =	vst v63  }
0x31: {  	v3 =	vld [tilespmem:$0x10];
	_ =	sdelay $0x4  }
0x32: {  	v57 =	vshrl.u32 v3, $0x3  }
0x33: {  	v4 =	vmul.u32 $0x18, v57  }
0x34: {  	v3 =	vand.u32 $0x7, v3  }
0x35: {  	v3 =	vor.u32 v3, v4  }
0x36: {  	v4 =	vperm.xlane v3, v0;
	_ =	sdelay $0x1  }
0x37: {  	v4 =	vadd.s32 v1, v4;
	_ =	sdelay $0x1  }
0x38: {  	v3 =	vperm.xlane v3, v2;
	_ =	sdelay $0x1  }
0x39: {  	s1 =	rddreg [dreg:$0xb];
	v3 =	vadd.s32 v1, v3  }
0x3a: {  	[tilespmem:s1], [sflag:$0x1] =	stream.indirect_vreg.gather [hbm4b:s2+s3], $0x80, v4, vm0, $0xb8;
	[tilespmem:$0x10080] =	vst v63  }
0x3b: {  	s8 =	rddreg [dreg:$0xc]  }
0x3c: {  	[tilespmem:s8], [sflag:$0x1] =	stream.indirect_vreg.gather [hbm4b:s4+s3], $0x80, v4, vm1, $0xb8;
	[tilespmem:$0x10080] =	vst v63  }
0x3d: {  	s1 =	rddreg [dreg:$0xd]  }
0x3e: {  	[tilespmem:s1], [sflag:$0x1] =	stream.indirect_vreg.gather [hbm4b:s2+s3], $0x80, v3, vm0, $0xb8;
	[tilespmem:$0x10080] =	vst v63  }
0x3f: {  	s8 =	rddreg [dreg:$0xe]  }
0x40: {  	[tilespmem:s8], [sflag:$0x1] =	stream.indirect_vreg.gather [hbm4b:s4+s3], $0x80, v3, vm1, $0xb8;
	[tilespmem:$0x10080] =	vst v63  }
0x41: {  	v3 =	vld [tilespmem:$0x20];
	_ =	sdelay $0x4  }
0x42: {  	v58 =	vshrl.u32 v3, $0x3  }
0x43: {  	v4 =	vmul.u32 $0x18, v58  }
0x44: {  	v3 =	vand.u32 $0x7, v3  }
0x45: {  	v3 =	vor.u32 v3, v4  }
0x46: {  	v4 =	vperm.xlane v3, v0;
	_ =	sdelay $0x1  }
0x47: {  	v4 =	vadd.s32 v1, v4;
	_ =	sdelay $0x1  }
0x48: {  	v3 =	vperm.xlane v3, v2;
	_ =	sdelay $0x1  }
0x49: {  	s1 =	rddreg [dreg:$0xf];
	v3 =	vadd.s32 v1, v3  }
0x4a: {  	[tilespmem:s1], [sflag:$0x1] =	stream.indirect_vreg.gather [hbm4b:s2+s3], $0x80, v4, vm0, $0xb8;
	[tilespmem:$0x10080] =	vst v63  }
0x4b: {  	s8 =	rddreg [dreg:$0x10]  }
0x4c: {  	[tilespmem:s8], [sflag:$0x1] =	stream.indirect_vreg.gather [hbm4b:s4+s3], $0x80, v4, vm1, $0xb8;
	[tilespmem:$0x10080] =	vst v63  }
0x4d: {  	s1 =	rddreg [dreg:$0x11]  }
0x4e: {  	[tilespmem:s1], [sflag:$0x1] =	stream.indirect_vreg.gather [hbm4b:s2+s3], $0x80, v3, vm0, $0xb8;
	[tilespmem:$0x10080] =	vst v63  }
0x4f: {  	s8 =	simm.s32 $0x4480  }
0x50: {  	[tilespmem:s8], [sflag:$0x1] =	stream.indirect_vreg.gather [hbm4b:s4+s3], $0x80, v3, vm1, $0xb8;
	[tilespmem:$0x10080] =	vst v63  }
0x51: {  	v3 =	vld [tilespmem:$0x30];
	_ =	sdelay $0x4  }
0x52: {  	v59 =	vshrl.u32 v3, $0x3  }
0x53: {  	v4 =	vmul.u32 $0x18, v59  }
0x54: {  	v3 =	vand.u32 $0x7, v3  }
0x55: {  	v3 =	vor.u32 v3, v4  }
0x56: {  	v4 =	vperm.xlane v3, v0;
	_ =	sdelay $0x1  }
0x57: {  	v4 =	vadd.s32 v1, v4;
	_ =	sdelay $0x1  }
0x58: {  	v3 =	vperm.xlane v3, v2;
	_ =	sdelay $0x1  }
0x59: {  	v3 =	vadd.s32 v1, v3  }
0x5a: {  	[tilespmem:s9], [sflag:$0x1] =	stream.indirect_vreg.gather [hbm4b:s2+s3], $0x80, v4, vm0, $0xb8;
	[tilespmem:$0x10080] =	vst v63  }
0x5b: {  	_ = 	snop  }
0x5c: {  	[tilespmem:s10], [sflag:$0x1] =	stream.indirect_vreg.gather [hbm4b:s4+s3], $0x80, v4, vm1, $0xb8;
	[tilespmem:$0x10080] =	vst v63  }
0x5d: {  	_ = 	snop  }
0x5e: {  	[tilespmem:s11], [sflag:$0x1] =	stream.indirect_vreg.gather [hbm4b:s2+s3], $0x80, v3, vm0, $0xb8;
	[tilespmem:$0x10080] =	vst v63  }
0x5f: {  	_ = 	snop  }
0x60: {  	[tilespmem:s12], [sflag:$0x1] =	stream.indirect_vreg.gather [hbm4b:s4+s3], $0x80, v3, vm1, $0xb8;
	[tilespmem:$0x10080] =	vst v63  }
0x61: {  	v3 =	vld [tilespmem:$0x40];
	_ =	sdelay $0x4  }
0x62: {  	v60 =	vshrl.u32 v3, $0x3  }
0x63: {  	v4 =	vmul.u32 $0x18, v60  }
0x64: {  	v3 =	vand.u32 $0x7, v3  }
0x65: {  	v3 =	vor.u32 v3, v4  }
0x66: {  	v4 =	vperm.xlane v3, v0;
	_ =	sdelay $0x1  }
0x67: {  	v4 =	vadd.s32 v1, v4;
	_ =	sdelay $0x1  }
0x68: {  	v3 =	vperm.xlane v3, v2;
	_ =	sdelay $0x1  }
0x69: {  	v3 =	vadd.s32 v1, v3  }
0x6a: {  	[tilespmem:s13], [sflag:$0x1] =	stream.indirect_vreg.gather [hbm4b:s2+s3], $0x80, v4, vm0, $0xb8;
	[tilespmem:$0x10080] =	vst v63  }
0x6b: {  	_ = 	snop  }
0x6c: {  	[tilespmem:s14], [sflag:$0x1] =	stream.indirect_vreg.gather [hbm4b:s4+s3], $0x80, v4, vm1, $0xb8;
	[tilespmem:$0x10080] =	vst v63  }
0x6d: {  	_ = 	snop  }
0x6e: {  	[tilespmem:s15], [sflag:$0x1] =	stream.indirect_vreg.gather [hbm4b:s2+s3], $0x80, v3, vm0, $0xb8;
	[tilespmem:$0x10080] =	vst v63  }
0x6f: {  	_ = 	snop  }
0x70: {  	[tilespmem:s16], [sflag:$0x1] =	stream.indirect_vreg.gather [hbm4b:s4+s3], $0x80, v3, vm1, $0xb8;
	[tilespmem:$0x10080] =	vst v63  }
0x71: {  	v3 =	vld [tilespmem:$0x50];
	_ =	sdelay $0x4  }
0x72: {  	v61 =	vshrl.u32 v3, $0x3  }
0x73: {  	v4 =	vmul.u32 $0x18, v61  }
0x74: {  	v3 =	vand.u32 $0x7, v3  }
0x75: {  	v3 =	vor.u32 v3, v4  }
0x76: {  	v4 =	vperm.xlane v3, v0;
	_ =	sdelay $0x1  }
0x77: {  	v4 =	vadd.s32 v1, v4;
	_ =	sdelay $0x1  }
0x78: {  	v3 =	vperm.xlane v3, v2;
	_ =	sdelay $0x1  }
0x79: {  	v3 =	vadd.s32 v1, v3  }
0x7a: {  	[tilespmem:s17], [sflag:$0x1] =	stream.indirect_vreg.gather [hbm4b:s2+s3], $0x80, v4, vm0, $0xb8;
	[tilespmem:$0x10080] =	vst v63  }
0x7b: {  	_ = 	snop  }
0x7c: {  	[tilespmem:s18], [sflag:$0x1] =	stream.indirect_vreg.gather [hbm4b:s4+s3], $0x80, v4, vm1, $0xb8;
	[tilespmem:$0x10080] =	vst v63  }
0x7d: {  	_ = 	snop  }
0x7e: {  	[tilespmem:s19], [sflag:$0x1] =	stream.indirect_vreg.gather [hbm4b:s2+s3], $0x80, v3, vm0, $0xb8;
	[tilespmem:$0x10080] =	vst v63  }
0x7f: {  	_ = 	snop  }
0x80: {  	[tilespmem:s20], [sflag:$0x1] =	stream.indirect_vreg.gather [hbm4b:s4+s3], $0x80, v3, vm1, $0xb8;
	[tilespmem:$0x10080] =	vst v63  }
0x81: {  	v3 =	vld [tilespmem:$0x60];
	_ =	sdelay $0x4  }
0x82: {  	v62 =	vshrl.u32 v3, $0x3  }
0x83: {  	v4 =	vmul.u32 $0x18, v62  }
0x84: {  	v3 =	vand.u32 $0x7, v3  }
0x85: {  	v3 =	vor.u32 v3, v4  }
0x86: {  	v4 =	vperm.xlane v3, v0;
	_ =	sdelay $0x1  }
0x87: {  	v4 =	vadd.s32 v1, v4;
	_ =	sdelay $0x1  }
0x88: {  	v3 =	vperm.xlane v3, v2;
	_ =	sdelay $0x1  }
0x89: {  	v3 =	vadd.s32 v1, v3  }
0x8a: {  	[tilespmem:s21], [sflag:$0x1] =	stream.indirect_vreg.gather [hbm4b:s2+s3], $0x80, v4, vm0, $0xb8;
	[tilespmem:$0x10080] =	vst v63  }
0x8b: {  	_ = 	snop  }
0x8c: {  	[tilespmem:s22], [sflag:$0x1] =	stream.indirect_vreg.gather [hbm4b:s4+s3], $0x80, v4, vm1, $0xb8;
	[tilespmem:$0x10080] =	vst v63  }
0x8d: {  	_ = 	snop  }
0x8e: {  	[tilespmem:s23], [sflag:$0x1] =	stream.indirect_vreg.gather [hbm4b:s2+s3], $0x80, v3, vm0, $0xb8;
	[tilespmem:$0x10080] =	vst v63  }
0x8f: {  	_ = 	snop  }
0x90: {  	[tilespmem:s24], [sflag:$0x1] =	stream.indirect_vreg.gather [hbm4b:s4+s3], $0x80, v3, vm1, $0xb8;
	[tilespmem:$0x10080] =	vst v63  }
0x91: {  	v3 =	vld [tilespmem:$0x70];
	_ =	sdelay $0x4  }
0x92: {  	v63 =	vshrl.u32 v3, $0x3  }
0x93: {  	v4 =	vmul.u32 $0x18, v63  }
0x94: {  	v3 =	vand.u32 $0x7, v3  }
0x95: {  	v3 =	vor.u32 v3, v4  }
0x96: {  	v4 =	vperm.xlane v3, v0;
	_ =	sdelay $0x1  }
0x97: {  	v4 =	vadd.s32 v1, v4;
	_ =	sdelay $0x1  }
0x98: {  	v3 =	vperm.xlane v3, v2;
	_ =	sdelay $0x1  }
0x99: {  	v3 =	vadd.s32 v1, v3  }
0x9a: {  	[tilespmem:s25], [sflag:$0x1] =	stream.indirect_vreg.gather [hbm4b:s2+s3], $0x80, v4, vm0, $0xb8;
	[tilespmem:$0x10080] =	vst v63  }
0x9b: {  	_ = 	snop  }
0x9c: {  	[tilespmem:s26], [sflag:$0x1] =	stream.indirect_vreg.gather [hbm4b:s4+s3], $0x80, v4, vm1, $0xb8;
	[tilespmem:$0x10080] =	vst v63  }
0x9d: {  	_ = 	snop  }
0x9e: {  	[tilespmem:s28], [sflag:$0x1] =	stream.indirect_vreg.gather [hbm4b:s2+s3], $0x80, v3, vm0, $0xb8;
	[tilespmem:$0x10080] =	vst v63  }
0x9f: {  	_ = 	snop  }
0xa0: {  	[tilespmem:s29], [sflag:$0x1] =	stream.indirect_vreg.gather [hbm4b:s4+s3], $0x80, v3, vm1, $0xb8;
	[tilespmem:$0x10080] =	vst v63  }
0xa1: {  	s8 =	rddreg [dreg:$0x4]  }
0xa2: {  	[tilespmem:s30], [sflag:$0x2] =	stream.indirect.gather [hbm4b:s8+s7], $0x80, s3, s7, $0xb8;
	[tilespmem:$0x10080] =	vst v63  }
0xa3: {  	_ =	swait.ge [sflag:s31], $0x4000  }
0xa4: {  	[sflag:s31] =	ssyncset.done $0x0  }
0xa5: {  	s8 =	rddreg [dreg:$0x6];
	[sflag:s31] =	ssyncadd.s32 $0xFFFFC000  }
0xa6: {  	[hbm4b:s8+s3] =	stream.linear.scatter [tilespmem:s30], [sflag:$0x3], $0x4000, $0x38;
	[tilespmem:$0x10080] =	vst v63  }
0xa7: {  	_ =	swait.ge [sflag:s6], $0x4000  }
0xa8: {  	[sflag:s6] =	ssyncset.done $0x0  }
0xa9: {  	[sflag:s6] =	ssyncadd.s32 $0xFFFFC000  }
0xaa: {  	_ =	swait.ge [sflag:s0], $0xC000  }
0xab: {  	p0 =	sne.s32 s5, $0x1;
	[sflag:s0] =	ssyncset.done $0x0  }
.Ltmp0:
0xac: {  	s8 =	rddreg [dreg:$0x7];
	[sflag:s0] =	ssyncadd.s32 $0xFFFF4000;
	(pc) =	sbr.rel @p0 .LBB2_1-.Ltmp0, $4  }
0xad: {  	[hbm4b:s8+s3] =	stream.linear.scatter [tilespmem:s7], [sflag:$0x3], $0xC000, $0x38;
	[tilespmem:$0x10080] =	vst v63  }
0xae: {  	_ =	swait.ge [sflag:s6], $0xC000  }
0xaf: {  	[sflag:s6] =	ssyncset.done $0x0  }
0xb0: {  	s5 =	sadd.s32 $0xFFFFFFFF, s5;
	[sflag:s6] =	ssyncadd.s32 $0xFFFF4000  }
0xb1: {  	_ =	sfence.sel $0x180000  }
0xb2: {  	[bflag:$0x0] =	sbarrier.arrive $0xFFFF  }
0xb3: {  	_ =	strace $0x9000004A  }
0xb4: {  	s0 =	stileid.u32;
	[bflag:$0x2] =	sbarrier.arrive $0xFFFF  }
0xb5: {  	p0 =	sne.s32 s0, $0x0;
	s0 =	rddreg [dreg:$0x3]  }
0xb6: {  	s0 =	sadd.s32 @!p0 $0x100000, s0  }
0xb7: {  	[sflag:s0] =	ssyncadd.tile.s32 @!p0 $0x1;
	_ =	shalt  }
.Lfunc_end2:
_tile_overlayer_lowered:
.L_overlay_start_2:
0xb8: {  	(tag) =	ssettag $0x2  }
0xb9: {  	s0 =	rddreg [dreg:$0x0];
	s2 =	stileid.u32  }
0xba: {  	s1 =	rddreg [dreg:$0x1];
	p0 =	sne.s32 s2, $0x0  }
0xbb: {  	s3 =	rddreg [dreg:$0x2];
	[bflag:$0x3] =	sbarrier.arrive $0xFFFF;
	s2 =	simm.s32 @!p0 $0x1C03  }
0xbc: {  	[timem:s3], [sflag:s2] =	dma.local @!p0 [hbm:s0], s1  }
0xbd: {  	s0 =	simm.s32 @!p0 $0x3  }
0xbe: {  	_ =	swait.ge @!p0 [sflag:s0], s1  }
0xbf: {  	s1 =	ssub.s32 @!p0 $0x0, s1;
	[sflag:s0] =	ssyncset.done @!p0 $0x0  }
0xc0: {  	[sflag:s0] =	ssyncadd.s32 @!p0 s1  }
0xc1: {  	[bflag:$0x3] =	sbarrier.arrive $0xFFFF  }
0xc2: {  	_ =	shalt  }

// kernel: kernel.9.cloned.1.call-start
scs
__scs_entry_jumppad:
0x0: {  	(pc) =	sbr.rel $0x88, $3  }
0x1: {  	(tag) =	ssettag $0x0;
	lr =	simm.s32 $0x1  }
0x2: {  	[smem:$0x3F96] =	sst lr;
	_ =	strace $0xD0000000  }
0x3: {  	_ = 	snop  }
0x4: {  	_ = 	snop  }
0x5: {  	_ = 	snop  }
0x6: {  	_ = 	snop  }
0x7: {  	_ = 	snop  }
__scs_overlays_trampoline_lowered:
0x8: {  	[smem:$0x3FA5] =	sst s0  }
0x9: {  	[smem:$0x3FA6] =	sst s1  }
0xa: {  	[smem:$0x3FA7] =	sst s2  }
0xb: {  	[smem:$0x3FA8] =	sst s3  }
0xc: {  	[smem:$0x3FA9] =	sst s4  }
0xd: {  	[smem:$0x3FAA] =	sst s5  }
0xe: {  	[smem:$0x3FAB] =	sst s6  }
0xf: {  	[smem:$0x3FAC] =	sst s7  }
0x10: {  	[smem:$0x3FAD] =	sst s8  }
0x11: {  	[smem:$0x3FAE] =	sst s9;
	s0 =	simm.s32 @!p0 $0x0  }
0x12: {  	s1 =	sld [smem:$0x3F94];
	s0 =	simm.s32 @p0 $0x1  }
0x13: {  	[smem:$0x3FAF] =	sst s0;
	s0 =	simm.s32 @!p1 $0x0  }
0x14: {  	s2 =	sld [smem:$0x3F93];
	s0 =	simm.s32 @p1 $0x1  }
0x15: {  	[smem:$0x3FB0] =	sst s0;
	s0 =	simm.s32 @!p2 $0x0  }
0x16: {  	s3 =	sld [smem:$0x3FDB];
	s0 =	simm.s32 @p2 $0x1  }
0x17: {  	s4 =	simm.s32 $0x1BF5;
	[smem:$0x3FB2] =	sst s0  }
0x18: {  	s0 =	sld [smem:$0x3F95];
	_ =	swait.ge [sflag:s4], $0x0  }
0x19: {  	s7 =	sld [smem:$0x3F96]  }
0x1a: {  	s8 =	sadd.s32 $0xFFFFE003, lr  }
0x1b: {  	s9 =	sadd.s32 $0xFFFFFEF7, lr;
	s5 =	simm.s32 $0xFFFFFFFF;
	p2 =	slt.u32 s8, $0xFFFFF086  }
0x1c: {  	p1 =	slt.u32 s9, $0xF7A;
	s5 =	simm.s32 @!p2 $0x0  }
0x1d: {  	s5 =	simm.s32 @p1 $0x1;
	p0 =	seq.s32 s7, s2  }
0x1e: {  	s7 =	smul.u32 @!p0 $0xF7A, s2;
	p2 =	seq.s32 @!p0 s5, $0x0  }
0x1f: {  	s9 =	smul.u32 $0xF7A, s1;
	s8 =	simm.s32 @!p0 $0x1BF5;
	p2 =	por !p2, p0  }
0x20: {  	[sflag:s8] =	ssyncset.s32 @!p0 $0xFFFFF086;
	s6 =	sadd.s32 @!p0 s3, s7;
	s7 =	simm.s32 @!p0 $0x108  }
0x21: {  	s3 =	sadd.s32 s3, s9;
	s6 =	sadd.s32 @!p0 $0x88, s6;
	s7 =	simm.s32 @p2 $0x1082  }
0x22: {  	[simem:s7], [sflag:s8] =	dma.local @!p0 [hbm:s6], $0xF7A  }
0x23: {  	s9 =	sor.u32 $0xD0000000, s2;
	s6 =	simm.s32 $0x108;
	_ =	swait.ge @!p0 [sflag:s8], $0x0  }
0x24: {  	s3 =	sadd.s32 $0x88, s3;
	s6 =	simm.s32 @!p1 $0x1082;
	[sflag:s4] =	ssyncset.s32 $0xFFFFF086  }
0x25: {  	[simem:s6], [sflag:s4] =	dma.local [hbm:s3], $0xF7A  }
0x26: {  	[smem:$0x3F96] =	sst s1;
	(tag) =	ssettag s2;
	_ =	strace s9  }
0x27: {  	s1 =	sld [smem:$0x3FA6]  }
0x28: {  	s2 =	sld [smem:$0x3FA7]  }
0x29: {  	s4 =	sld [smem:$0x3FA9]  }
0x2a: {  	p0 =	seq.s32 s5, $0x0;
	s5 =	sld [smem:$0x3FAA]  }
0x2b: {  	s6 =	sld [smem:$0x3FAB]  }
0x2c: {  	s7 =	sld [smem:$0x3FAC]  }
0x2d: {  	s3 =	simm.s32 $0x108;
	s8 =	sld [smem:$0x3FAD]  }
0x2e: {  	s3 =	simm.s32 @!p0 $0x1082;
	s9 =	sld [smem:$0x3FAE]  }
0x2f: {  	lr =	sadd.s32 s0, s3;
	s0 =	sld [smem:$0x3FA5]  }
0x30: {  	s3 =	sld [smem:$0x3FA8]  }
0x31: {  	[smem:$0x3FB1] =	sst s10  }
0x32: {  	s10 =	sld [smem:$0x3FAF];
	_ =	sdelay $0x3  }
0x33: {  	p0 =	seq.s32 s10, $0x1;
	s10 =	sld [smem:$0x3FB1];
	_ =	sdelay $0x3  }
0x34: {  	[smem:$0x3FB1] =	sst s10  }
0x35: {  	s10 =	sld [smem:$0x3FB0];
	_ =	sdelay $0x3  }
0x36: {  	p1 =	seq.s32 s10, $0x1;
	s10 =	sld [smem:$0x3FB1];
	_ =	sdelay $0x3  }
0x37: {  	[smem:$0x3FB1] =	sst s10  }
0x38: {  	s10 =	sld [smem:$0x3FB2]  }
0x39: {  	_ = 	snop;
	(pc) =	sbr.ind lr, $3  }
0x3a: {  	_ = 	snop  }
0x3b: {  	_ = 	snop  }
0x3c: {  	p2 =	seq.s32 s10, $0x1;
	s10 =	sld [smem:$0x3FB1]  }
0x3d: {  	_ =	shalt  }
0x3e: {  	_ =	shalt  }
0x3f: {  	_ =	shalt  }
0x40: {  	_ =	shalt  }
0x41: {  	_ =	shalt  }
0x42: {  	_ =	shalt  }
0x43: {  	_ =	shalt  }
0x44: {  	_ =	shalt  }
0x45: {  	_ =	shalt  }
0x46: {  	_ =	shalt  }
0x47: {  	_ =	shalt  }
0x48: {  	_ =	shalt  }
0x49: {  	_ =	shalt  }
0x4a: {  	_ =	shalt  }
0x4b: {  	_ =	shalt  }
0x4c: {  	_ =	shalt  }
0x4d: {  	_ =	shalt  }
0x4e: {  	_ =	shalt  }
0x4f: {  	_ =	shalt  }
0x50: {  	_ =	shalt  }
0x51: {  	_ =	shalt  }
0x52: {  	_ =	shalt  }
0x53: {  	_ =	shalt  }
0x54: {  	_ =	shalt  }
0x55: {  	_ =	shalt  }
0x56: {  	_ =	shalt  }
0x57: {  	_ =	shalt  }
0x58: {  	_ =	shalt  }
0x59: {  	_ =	shalt  }
0x5a: {  	_ =	shalt  }
0x5b: {  	_ =	shalt  }
0x5c: {  	_ =	shalt  }
0x5d: {  	_ =	shalt  }
0x5e: {  	_ =	shalt  }
0x5f: {  	_ =	shalt  }
0x60: {  	_ =	shalt  }
0x61: {  	_ =	shalt  }
0x62: {  	_ =	shalt  }
0x63: {  	_ =	shalt  }
0x64: {  	_ =	shalt  }
0x65: {  	_ =	shalt  }
0x66: {  	_ =	shalt  }
0x67: {  	_ =	shalt  }
0x68: {  	_ =	shalt  }
0x69: {  	_ =	shalt  }
0x6a: {  	_ =	shalt  }
0x6b: {  	_ =	shalt  }
0x6c: {  	_ =	shalt  }
0x6d: {  	_ =	shalt  }
0x6e: {  	_ =	shalt  }
0x6f: {  	_ =	shalt  }
0x70: {  	_ =	shalt  }
0x71: {  	_ =	shalt  }
0x72: {  	_ =	shalt  }
0x73: {  	_ =	shalt  }
0x74: {  	_ =	shalt  }
0x75: {  	_ =	shalt  }
0x76: {  	_ =	shalt  }
0x77: {  	_ =	shalt  }
0x78: {  	_ =	shalt  }
0x79: {  	_ =	shalt  }
0x7a: {  	_ =	shalt  }
0x7b: {  	_ =	shalt  }
0x7c: {  	_ =	shalt  }
0x7d: {  	_ =	shalt  }
0x7e: {  	_ =	shalt  }
0x7f: {  	_ =	shalt  }
0x80: {  	_ =	shalt  }
0x81: {  	_ =	shalt  }
0x82: {  	_ =	shalt  }
0x83: {  	_ =	shalt  }
0x84: {  	_ =	shalt  }
0x85: {  	_ =	shalt  }
0x86: {  	_ =	shalt  }
0x87: {  	_ =	shalt  }
.Lfunc_end0:
.L_simem_size_0:
called_computation.1_lowered:
.L_overlay_start_0:
0x88: {  	s2 =	sld [smem:$0x3FD9]  }
0x89: {  	s3 =	sld [smem:$0x3FFE];
	_ =	sdelay $0x1  }
0x8a: {  	s1 =	srdreg.scid  }
0x8b: {  	s0 =	sand.u32 $0x1, s1  }
0x8c: {  	s17 =	sshll.u32 s0, $0xA;
	s2 =	sadd.s32 s3, s2  }
0x8d: {  	s2 =	sadd.s32 s2, s17  }
0x8e: {  	[smem:$0x3FBD] =	sst s2  }
0x8f: {  	_ = 	snop  }
0x90: {  	s2 =	sld [smem:$0x3FC9]  }
0x91: {  	s18 =	sld [smem:$0x3FC7]  }
0x92: {  	s4 =	sld [smem:$0x3FD0];
	(tm) =	ssettm $0x1  }
0x93: {  	s5 =	sld [smem:$0x3FFB];
	_ =	sdelay $0x3  }
0x94: {  	_ =	strace s5  }
0x95: {  	s5 =	sld [smem:$0x3FFC];
	_ =	sdelay $0x3  }
0x96: {  	_ =	strace s5  }
0x97: {  	s5 =	sld [smem:$0x3FFD];
	_ =	sdelay $0x3  }
0x98: {  	_ =	strace s5  }
0x99: {  	_ =	strace $0x8FFFFFFF  }
0x9a: {  	s19 =	sld [smem:$0x3FDB];
	_ =	sdelay $0x1  }
0x9b: {  	s6 =	simm.s32 $_scs_section_size  }
0x9c: {  	s7 =	simm.s32 $_size__tile_overlayer_lowered;
	s8 =	simm.s32 $_tile_overlayer_lowered  }
0x9d: {  	s22 =	simm.s32 $0x1BFF;
	s21 =	sshll.u32 s8, $0x1;
	s5 =	sadd.s32 s6, s19  }
0x9e: {  	s9 =	simm.s32 $0x0;
	s20 =	sshll.u32 s7, $0x1;
	s7 =	sadd.s32 s21, s5  }
0x9f: {  	[timem:s9], [sflag:s22] =	dma.local [hbm:s7], s20  }
0xa0: {  	_ =	swait.ge [sflag:s22], s20  }
0xa1: {  	s6 =	ssub.s32 $0x0, s20;
	[sflag:s22] =	ssyncset.done $0x0  }
0xa2: {  	[sflag:s22] =	ssyncadd.s32 s6;
	_ =	sdelay $0x1  }
0xa3: {  	s23 =	simm.s32 $0x1B8B  }
0xa4: {  	_ =	swait.ge [sflag:s23], $0x1  }
0xa5: {  	[sflag:s23] =	ssyncset.done $0x0  }
0xa6: {  	s25 =	simm.s32 $0x1B8E;
	s24 =	sld [smem:$0x3FFE];
	[sflag:s23] =	ssyncadd.s32 $0xFFFFFFFF  }
0xa7: {  	s26 =	simm.s32 $execute0_lowered;
	[smem:$0x3FD2] =	sst s25  }
0xa8: {  	s7 =	sshll.u32 s26, $0x1;
	_ =	strace $0x80000046;
	[dreg:$0x1] =	wrdreg $0xFFFFFFFF  }
0xa9: {  	s28 =	simm.s32 $_size_execute0_lowered;
	s5 =	sadd.s32 s5, s7;
	[dreg:$0x0] =	wrdreg $0x0  }
0xaa: {  	s7 =	sshll.u32 s28, $0x1;
	[dreg:$0x2] =	wrdreg s5  }
0xab: {  	[dreg:$0x3] =	wrdreg s7  }
0xac: {  	[dreg:$0x4] =	wrdreg $0xC0  }
0xad: {  	_ =	task [dreg:s9], $0x5FFFF  }
0xae: {  	[dreg:$0x1] =	wrdreg $0xFFFFFFFF  }
0xaf: {  	[dreg:$0x0] =	wrdreg $0x60  }
0xb0: {  	[dreg:$0x2] =	wrdreg s2  }
0xb1: {  	[dreg:$0x3] =	wrdreg s24  }
0xb2: {  	[dreg:$0x4] =	wrdreg s18  }
0xb3: {  	[dreg:$0x5] =	wrdreg s4  }
0xb4: {  	[dreg:$0x6] =	wrdreg $0xA  }
0xb5: {  	_ =	task.clear_ibuf [dreg:s9], $0x7FFFF;
	_ =	strace $0x90000046  }
0xb6: {  	s29 =	simm.s32 $0xA;
	_ =	strace $0x80000048  }
0xb7: {  	_ =	swait.ge [sflag:s29], $0x1  }
0xb8: {  	[sflag:s29] =	ssyncadd.s32 $0xFFFFFFFF  }
0xb9: {  	_ =	strace $0x90000048  }
0xba: {  	_ =	sfence  }
0xbb: {  	s30 =	sld [smem:$0x0];
	_ =	sdelay $0x2  }
0xbc: {  	s31 =	sshll.u32 s1, $0xD;
	s1 =	sshrl.u32 s1, $0x2  }
0xbd: {  	s3 =	sand.u32 $0x4000, s31;
	s1 =	sadd.s32 s1, s30  }
0xbe: {  	s0 =	sor.u32 s3, s0;
	s1 =	sshll.u32 s1, $0x11  }
0xbf: {  	s0 =	sor.u32 s1, s0  }
0xc0: {  	s0 =	sadd.s32 $0x8F2B, s0  }
0xc1: {  	[sflag:s0] =	ssyncadd.remote.s32 $0x1  }
0xc2: {  	_ =	sfence.sel $0xFFFF  }
0xc3: {  	[dreg:$0x0] =	wrdreg $0xFFFFFFFF;
	(pc) =	sbr.abs _section_cstart, $3  }
0xc4: {  	[dreg:$0x1] =	wrdreg $0xFFFFFFFF  }
0xc5: {  	_ =	task.clear_ibuf [dreg:s9], $0x2FFFF;
	_ =	strace $0x9FFFFFFF  }
0xc6: {  	(tm) =	ssettm $0x7FFFFFFF  }
0xc7: {  	_ =	shalt  }
tec
execute0_lowered:
.L_overlay_start_1:
0x0: {  	(tag) =	ssettag $0x1  }
0x1: {  	s3 =	rddreg [dreg:$0x0]  }
0x2: {  	s9 =	rddreg [dreg:$0x1];
	s1 =	srdreg.scid  }
0x3: {  	s4 =	rddreg [dreg:$0x2];
	s0 =	stileid.u32;
	s8 =	sand.u32 $0x1, s1  }
0x4: {  	s5 =	rddreg [dreg:$0x3];
	s6 =	sshll.u32 s0, $0x8;
	s7 =	sshll.u32 s8, $0x7  }
0x5: {  	s2 =	simm.s32 $0x0;
	s1 =	rddreg [dreg:$0x4];
	s10 =	sor.u32 s7, s6  }
0x6: {  	[smem:$0x7FF] =	sst s2;
	s15 =	sshrl.u32 s10, $0x3  }
0x7: {  	_ =	strace $0x80000047;
	s6 =	sadd.s32 s3, s15;
	s3 =	simm.s32 $0x7  }
0x8: {  	[tilespmem:s2], [sflag:$0x7] =	stream.linear.gather [hbm4b:s6+s2], $0x80, $0x38;
	[tilespmem:$0x1500] =	vst v63  }
0x9: {  	_ =	swait.ge [sflag:s3], $0x80  }
0xa: {  	[sflag:s3] =	ssyncset.done $0x0  }
0xb: {  	s7 =	simm.s32 $0x80;
	[sflag:s3] =	ssyncadd.s32 $0xFFFFFF80  }
0xc: {  	[tilespmem:s7], [sflag:$0x1] =	stream.indirect.gather [hbm4b:s4+s7], $0x1, s2, s7, $0xb8;
	[tilespmem:$0x1500] =	vst v63  }
0xd: {  	v0 =	vld [tilespmem:$0x70]  }
0xe: {  	v1 =	vld [tilespmem:$0x50]  }
0xf: {  	v2 =	vld [tilespmem:$0x0]  }
0x10: {  	v3 =	vld [tilespmem:$0x30]  }
0x11: {  	v50 =	vld [tilespmem:$0x60]  }
0x12: {  	v0 =	vshll.u32 v0, $0x2  }
0x13: {  	v1 =	vshll.u32 v1, $0x2;
	[tilespmem:$0x1370] =	vst v0  }
0x14: {  	v2 =	vshll.u32 v2, $0x2;
	[tilespmem:$0x1350] =	vst v1  }
0x15: {  	v3 =	vshll.u32 v3, $0x2;
	[tilespmem:$0x1300] =	vst v2  }
0x16: {  	v54 =	vshll.u32 v50, $0x2;
	[tilespmem:$0x1330] =	vst v3  }
0x17: {  	v4 =	vor.u32 $0x2, v0;
	[tilespmem:$0x1360] =	vst v54  }
0x18: {  	v5 =	vor.u32 $0x1, v0;
	[tilespmem:$0x1470] =	vst v4  }
0x19: {  	v42 =	vor.u32 $0x1, v1;
	[tilespmem:$0x13F0] =	vst v5  }
0x1a: {  	v0 =	vor.u32 $0x3, v0;
	[tilespmem:$0x13D0] =	vst v42  }
0x1b: {  	v44 =	vor.u32 $0x2, v1;
	[tilespmem:$0x14F0] =	vst v0  }
0x1c: {  	v45 =	vor.u32 $0x2, v3;
	[tilespmem:$0x1450] =	vst v44  }
0x1d: {  	v1 =	vor.u32 $0x3, v1;
	[tilespmem:$0x1430] =	vst v45  }
0x1e: {  	v46 =	vor.u32 $0x1, v3;
	[tilespmem:$0x14D0] =	vst v1  }
0x1f: {  	v48 =	vor.u32 $0x2, v2;
	[tilespmem:$0x13B0] =	vst v46  }
0x20: {  	v49 =	vor.u32 $0x3, v2;
	[tilespmem:$0x1400] =	vst v48  }
0x21: {  	v43 =	vld [tilespmem:$0x20];
	v2 =	vor.u32 $0x1, v2;
	[tilespmem:$0x1480] =	vst v49  }
0x22: {  	v47 =	vld [tilespmem:$0x10];
	v3 =	vor.u32 $0x3, v3;
	[tilespmem:$0x1380] =	vst v2  }
0x23: {  	v52 =	vld [tilespmem:$0x40];
	v56 =	vor.u32 $0x2, v54;
	[tilespmem:$0x14B0] =	vst v3  }
0x24: {  	v58 =	vor.u32 $0x1, v54;
	[tilespmem:$0x1460] =	vst v56  }
0x25: {  	v60 =	vor.u32 $0x3, v54;
	[tilespmem:$0x13E0] =	vst v58  }
0x26: {  	v0 =	vshll.u32 v43, $0x2;
	[tilespmem:$0x14E0] =	vst v60  }
0x27: {  	v1 =	vshll.u32 v47, $0x2;
	[tilespmem:$0x1320] =	vst v0  }
0x28: {  	v2 =	vshll.u32 v52, $0x2;
	[tilespmem:$0x1310] =	vst v1  }
0x29: {  	v51 =	vor.u32 $0x3, v0;
	[tilespmem:$0x1340] =	vst v2  }
0x2a: {  	v53 =	vor.u32 $0x1, v0;
	[tilespmem:$0x14A0] =	vst v51  }
0x2b: {  	v0 =	vor.u32 $0x2, v0;
	[tilespmem:$0x13A0] =	vst v53  }
0x2c: {  	v55 =	vor.u32 $0x3, v1;
	[tilespmem:$0x1420] =	vst v0  }
0x2d: {  	v57 =	vor.u32 $0x1, v1;
	[tilespmem:$0x1490] =	vst v55  }
0x2e: {  	v59 =	vor.u32 $0x2, v1;
	[tilespmem:$0x1390] =	vst v57  }
0x2f: {  	v61 =	vor.u32 $0x3, v2;
	[tilespmem:$0x1410] =	vst v59  }
0x30: {  	s13 =	simm.s32 $0x1300;
	v62 =	vor.u32 $0x1, v2;
	[tilespmem:$0x14C0] =	vst v61  }
0x31: {  	s14 =	simm.s32 $0x1100;
	s16 =	simm.s32 $0x1380;
	s11 =	simm.s32 $0x1180;
	v63 =	vor.u32 $0x2, v2;
	[tilespmem:$0x13C0] =	vst v62  }
0x32: {  	s18 =	simm.s32 $0x1400;
	s19 =	simm.s32 $0x1480;
	s12 =	sadd.s32 $0x18AE00, s9;
	[tilespmem:$0x1440] =	vst v63  }
0x33: {  	[tilespmem:s14], [sflag:$0x3] =	stream.indirect.gather [hbm4b:s12+s7], $0x1, s13, s7, $0xb8;
	[tilespmem:$0x1500] =	vst v63  }
0x34: {  	s21 =	simm.s32 $0x1;
	s25 =	simm.s32 $0x3;
	s29 =	simm.s32 $0x4  }
0x35: {  	[tilespmem:s11], [sflag:$0x4] =	stream.indirect.gather [hbm4b:s12+s7], $0x1, s16, s7, $0xb8;
	[tilespmem:$0x1500] =	vst v63  }
0x36: {  	s20 =	ssub.s32 $0x2, s8;
	s17 =	sshll.u32 s10, $0x2;
	s10 =	simm.s32 $0x1200  }
0x37: {  	[tilespmem:s10], [sflag:$0x5] =	stream.indirect.gather [hbm4b:s12+s7], $0x1, s18, s7, $0xb8;
	[tilespmem:$0x1500] =	vst v63  }
0x38: {  	s26 =	simm.s32 $0x5;
	s8 =	simm.s32 $0x1280;
	s31 =	sshrl.u32 s20, $0x1  }
0x39: {  	[tilespmem:s8], [sflag:$0x6] =	stream.indirect.gather [hbm4b:s12+s7], $0x1, s19, s7, $0xb8;
	[tilespmem:$0x1500] =	vst v63  }
0x3a: {  	s20 =	ssub.s32 s20, s31;
	s24 =	sadd.s32 s17, s9;
	_ =	swait.ge [sflag:s21], $0x80  }
0x3b: {  	s15 =	sadd.s32 s15, s9;
	s20 =	smax.u32 s20, $0x1;
	[sflag:s21] =	ssyncset.done $0x0  }
0x3c: {  	s9 =	simm.s32 $0x100;
	p0 =	sne.s32 s20, $0x1;
	[sflag:s21] =	ssyncadd.s32 $0xFFFFFF80  }
0x3d: {  	[tilespmem:s9], [sflag:$0x2] =	stream.indirect.gather [hbm4b:s5+s7], $0x20, s7, s7, $0xb8;
	[tilespmem:$0x1500] =	vst v63  }
.Ltmp0:
0x3e: {  	s28 =	sadd.s32 $0x8400, s15;
	s23 =	sadd.s32 $0x8600, s15;
	(pc) =	sbr.rel @!p0 .LBB2_2-.Ltmp0, $4  }
0x3f: {  	s22 =	sadd.s32 $0x8800, s15;
	s17 =	sadd.s32 $0x8A00, s15;
	_ =	swait.ge [sflag:s25], $0x80  }
0x40: {  	s15 =	sadd.s32 $0x4400, s24;
	s30 =	sadd.s32 $0xFFFFFFFF, s20;
	[sflag:s25] =	ssyncset.done $0x0  }
0x41: {  	s24 =	simm.s32 $0x6;
	s20 =	simm.s32 $0x2;
	[sflag:s25] =	ssyncadd.s32 $0xFFFFFF80  }
0x42: {  	[hbm4b:s28+s2] =	stream.linear.scatter [tilespmem:s14], [sflag:$0x7], $0x80, $0x38;
	[tilespmem:$0x1500] =	vst v63  }
.LBB2_1:
0x43: {  	p0 =	sne.s32 s30, $0x1;
	s30 =	sadd.s32 $0xFFFFFFFF, s30;
	_ =	swait.ge [sflag:s3], $0x80  }
0x44: {  	[sflag:s3] =	ssyncset.done $0x0  }
0x45: {  	[sflag:s3] =	ssyncadd.s32 $0xFFFFFF80  }
0x46: {  	_ =	swait.ge [sflag:s29], $0x80  }
0x47: {  	[sflag:s29] =	ssyncset.done $0x0  }
0x48: {  	[sflag:s29] =	ssyncadd.s32 $0xFFFFFF80  }
0x49: {  	[hbm4b:s23+s2] =	stream.linear.scatter [tilespmem:s11], [sflag:$0x7], $0x80, $0x38;
	[tilespmem:$0x1500] =	vst v63  }
0x4a: {  	_ =	swait.ge [sflag:s3], $0x80  }
0x4b: {  	[sflag:s3] =	ssyncset.done $0x0  }
0x4c: {  	[sflag:s3] =	ssyncadd.s32 $0xFFFFFF80  }
0x4d: {  	_ =	swait.ge [sflag:s26], $0x80  }
0x4e: {  	[sflag:s26] =	ssyncset.done $0x0  }
0x4f: {  	[sflag:s26] =	ssyncadd.s32 $0xFFFFFF80  }
0x50: {  	[hbm4b:s22+s2] =	stream.linear.scatter [tilespmem:s10], [sflag:$0x7], $0x80, $0x38;
	[tilespmem:$0x1500] =	vst v63  }
0x51: {  	_ =	swait.ge [sflag:s3], $0x80  }
0x52: {  	[sflag:s3] =	ssyncset.done $0x0  }
0x53: {  	[sflag:s3] =	ssyncadd.s32 $0xFFFFFF80  }
0x54: {  	_ =	swait.ge [sflag:s24], $0x80  }
0x55: {  	[sflag:s24] =	ssyncset.done $0x0  }
0x56: {  	[sflag:s24] =	ssyncadd.s32 $0xFFFFFF80  }
0x57: {  	[hbm4b:s17+s2] =	stream.linear.scatter [tilespmem:s8], [sflag:$0x7], $0x80, $0x38;
	[tilespmem:$0x1500] =	vst v63  }
0x58: {  	_ =	swait.ge [sflag:s3], $0x80  }
0x59: {  	[sflag:s3] =	ssyncset.done $0x0  }
0x5a: {  	[sflag:s3] =	ssyncadd.s32 $0xFFFFFF80  }
0x5b: {  	_ =	swait.ge [sflag:s20], $0x1000  }
0x5c: {  	[sflag:s20] =	ssyncset.done $0x0  }
0x5d: {  	[sflag:s20] =	ssyncadd.s32 $0xFFFFF000  }
0x5e: {  	[hbm4b:s15+s2] =	stream.linear.scatter [tilespmem:s9], [sflag:$0x7], $0x1000, $0x38;
	[tilespmem:$0x1500] =	vst v63  }
0x5f: {  	_ =	swait.ge [sflag:s3], $0x1000  }
0x60: {  	[sflag:s3] =	ssyncset.done $0x0  }
0x61: {  	[sflag:s3] =	ssyncadd.s32 $0xFFFFF000  }
0x62: {  	[tilespmem:s2], [sflag:$0x7] =	stream.linear.gather [hbm4b:s6+s2], $0x80, $0x38;
	[tilespmem:$0x1500] =	vst v63  }
0x63: {  	_ =	swait.ge [sflag:s3], $0x80  }
0x64: {  	[sflag:s3] =	ssyncset.done $0x0  }
0x65: {  	[sflag:s3] =	ssyncadd.s32 $0xFFFFFF80  }
0x66: {  	[tilespmem:s7], [sflag:$0x1] =	stream.indirect.gather [hbm4b:s4+s7], $0x1, s2, s7, $0xb8;
	[tilespmem:$0x1500] =	vst v63  }
0x67: {  	v0 =	vld [tilespmem:$0x70]  }
0x68: {  	v1 =	vld [tilespmem:$0x50]  }
0x69: {  	v2 =	vld [tilespmem:$0x0];
	_ =	sdelay $0x1  }
0x6a: {  	v3 =	vld [tilespmem:$0x30]  }
0x6b: {  	v4 =	vld [tilespmem:$0x20];
	v0 =	vshll.u32 v0, $0x2  }
0x6c: {  	v5 =	vld [tilespmem:$0x10];
	v1 =	vshll.u32 v1, $0x2;
	[tilespmem:$0x1370] =	vst v0;
	v6 =	vor.u32 $0x1, v0;
	v7 =	vor.u32 $0x2, v0  }
0x6d: {  	v2 =	vshll.u32 v2, $0x2;
	[tilespmem:$0x1350] =	vst v1;
	v8 =	vor.u32 $0x1, v1;
	v9 =	vor.u32 $0x2, v1  }
0x6e: {  	v1 =	vor.u32 $0x3, v1;
	[tilespmem:$0x1300] =	vst v2;
	v10 =	vor.u32 $0x1, v2;
	v11 =	vor.u32 $0x2, v2  }
0x6f: {  	v0 =	vor.u32 $0x3, v0;
	v2 =	vor.u32 $0x3, v2;
	v3 =	vshll.u32 v3, $0x2;
	[tilespmem:$0x1470] =	vst v7  }
0x70: {  	v4 =	vshll.u32 v4, $0x2;
	v7 =	vor.u32 $0x1, v3;
	v12 =	vor.u32 $0x2, v3;
	[tilespmem:$0x13F0] =	vst v6  }
0x71: {  	v5 =	vshll.u32 v5, $0x2;
	v6 =	vor.u32 $0x1, v4;
	v13 =	vor.u32 $0x3, v4;
	[tilespmem:$0x13D0] =	vst v8  }
0x72: {  	v15 =	vor.u32 $0x2, v4;
	v8 =	vor.u32 $0x1, v5;
	v14 =	vor.u32 $0x3, v5;
	[tilespmem:$0x14F0] =	vst v0  }
0x73: {  	v0 =	vor.u32 $0x2, v5;
	[tilespmem:$0x1330] =	vst v3;
	v3 =	vor.u32 $0x3, v3  }
0x74: {  	[tilespmem:$0x1450] =	vst v9  }
0x75: {  	[tilespmem:$0x1430] =	vst v12  }
0x76: {  	[tilespmem:$0x14D0] =	vst v1  }
0x77: {  	[tilespmem:$0x13B0] =	vst v7;
	v1 =	vld [tilespmem:$0x60]  }
0x78: {  	[tilespmem:$0x1400] =	vst v11;
	v7 =	vld [tilespmem:$0x40]  }
0x79: {  	[tilespmem:$0x1320] =	vst v4  }
0x7a: {  	[tilespmem:$0x1480] =	vst v2  }
0x7b: {  	[tilespmem:$0x1380] =	vst v10  }
0x7c: {  	[tilespmem:$0x14A0] =	vst v13;
	v1 =	vshll.u32 v1, $0x2  }
0x7d: {  	[tilespmem:$0x1310] =	vst v5;
	v2 =	vshll.u32 v7, $0x2;
	v4 =	vor.u32 $0x1, v1;
	v5 =	vor.u32 $0x2, v1  }
0x7e: {  	v9 =	vor.u32 $0x3, v1;
	[tilespmem:$0x14B0] =	vst v3;
	v3 =	vor.u32 $0x1, v2;
	v7 =	vor.u32 $0x3, v2  }
0x7f: {  	[tilespmem:$0x13A0] =	vst v6;
	v6 =	vor.u32 $0x2, v2  }
0x80: {  	[tilespmem:$0x1360] =	vst v1  }
0x81: {  	[tilespmem:$0x1420] =	vst v15  }
0x82: {  	[tilespmem:$0x1340] =	vst v2  }
0x83: {  	[tilespmem:$0x1490] =	vst v14  }
0x84: {  	[tilespmem:$0x1460] =	vst v5  }
0x85: {  	[tilespmem:$0x1390] =	vst v8  }
0x86: {  	[tilespmem:$0x13E0] =	vst v4  }
0x87: {  	[tilespmem:$0x1410] =	vst v0  }
0x88: {  	[tilespmem:$0x14E0] =	vst v9  }
0x89: {  	[tilespmem:$0x14C0] =	vst v7  }
0x8a: {  	[tilespmem:$0x13C0] =	vst v3  }
0x8b: {  	[tilespmem:$0x1440] =	vst v6  }
0x8c: {  	[tilespmem:s14], [sflag:$0x3] =	stream.indirect.gather [hbm4b:s12+s7], $0x1, s13, s7, $0xb8;
	[tilespmem:$0x1500] =	vst v63  }
0x8d: {  	_ = 	snop  }
0x8e: {  	[tilespmem:s11], [sflag:$0x4] =	stream.indirect.gather [hbm4b:s12+s7], $0x1, s16, s7, $0xb8;
	[tilespmem:$0x1500] =	vst v63  }
0x8f: {  	_ = 	snop  }
0x90: {  	[tilespmem:s10], [sflag:$0x5] =	stream.indirect.gather [hbm4b:s12+s7], $0x1, s18, s7, $0xb8;
	[tilespmem:$0x1500] =	vst v63  }
0x91: {  	_ = 	snop  }
0x92: {  	[tilespmem:s8], [sflag:$0x6] =	stream.indirect.gather [hbm4b:s12+s7], $0x1, s19, s7, $0xb8;
	[tilespmem:$0x1500] =	vst v63  }
0x93: {  	_ =	swait.ge [sflag:s21], $0x80  }
0x94: {  	[sflag:s21] =	ssyncset.done $0x0  }
0x95: {  	[sflag:s21] =	ssyncadd.s32 $0xFFFFFF80  }
0x96: {  	[tilespmem:s9], [sflag:$0x2] =	stream.indirect.gather [hbm4b:s5+s7], $0x20, s7, s7, $0xb8;
	[tilespmem:$0x1500] =	vst v63  }
.Ltmp1:
0x97: {  	_ = 	snop;
	(pc) =	sbr.rel @p0 .LBB2_1-.Ltmp1, $4  }
0x98: {  	_ =	swait.ge [sflag:s25], $0x80  }
0x99: {  	[sflag:s25] =	ssyncset.done $0x0  }
0x9a: {  	[sflag:s25] =	ssyncadd.s32 $0xFFFFFF80  }
0x9b: {  	[hbm4b:s28+s2] =	stream.linear.scatter [tilespmem:s14], [sflag:$0x7], $0x80, $0x38;
	[tilespmem:$0x1500] =	vst v63  }
.LBB2_2:
0x9c: {  	_ =	swait.ge [sflag:s3], $0x80  }
0x9d: {  	[sflag:s3] =	ssyncset.done $0x0  }
0x9e: {  	[sflag:s3] =	ssyncadd.s32 $0xFFFFFF80  }
0x9f: {  	_ =	swait.ge [sflag:s29], $0x80  }
0xa0: {  	[sflag:s29] =	ssyncset.done $0x0  }
0xa1: {  	[sflag:s29] =	ssyncadd.s32 $0xFFFFFF80  }
0xa2: {  	[hbm4b:s23+s2] =	stream.linear.scatter [tilespmem:s11], [sflag:$0x7], $0x80, $0x38;
	[tilespmem:$0x1500] =	vst v63  }
0xa3: {  	_ =	swait.ge [sflag:s3], $0x80  }
0xa4: {  	[sflag:s3] =	ssyncset.done $0x0  }
0xa5: {  	[sflag:s3] =	ssyncadd.s32 $0xFFFFFF80  }
0xa6: {  	_ =	swait.ge [sflag:s26], $0x80  }
0xa7: {  	[sflag:s26] =	ssyncset.done $0x0  }
0xa8: {  	[sflag:s26] =	ssyncadd.s32 $0xFFFFFF80  }
0xa9: {  	[hbm4b:s22+s2] =	stream.linear.scatter [tilespmem:s10], [sflag:$0x7], $0x80, $0x38;
	[tilespmem:$0x1500] =	vst v63  }
0xaa: {  	_ =	swait.ge [sflag:s3], $0x80  }
0xab: {  	[sflag:s3] =	ssyncset.done $0x0  }
0xac: {  	[sflag:s3] =	ssyncadd.s32 $0xFFFFFF80  }
0xad: {  	_ =	swait.ge [sflag:s24], $0x80  }
0xae: {  	[sflag:s24] =	ssyncset.done $0x0  }
0xaf: {  	[sflag:s24] =	ssyncadd.s32 $0xFFFFFF80  }
0xb0: {  	[hbm4b:s17+s2] =	stream.linear.scatter [tilespmem:s8], [sflag:$0x7], $0x80, $0x38;
	[tilespmem:$0x1500] =	vst v63  }
0xb1: {  	_ =	swait.ge [sflag:s3], $0x80  }
0xb2: {  	[sflag:s3] =	ssyncset.done $0x0  }
0xb3: {  	[sflag:s3] =	ssyncadd.s32 $0xFFFFFF80  }
0xb4: {  	_ =	swait.ge [sflag:s20], $0x1000  }
0xb5: {  	[sflag:s20] =	ssyncset.done $0x0  }
0xb6: {  	[sflag:s20] =	ssyncadd.s32 $0xFFFFF000  }
0xb7: {  	[hbm4b:s15+s2] =	stream.linear.scatter [tilespmem:s9], [sflag:$0x7], $0x1000, $0x38;
	[tilespmem:$0x1500] =	vst v63  }
0xb8: {  	_ =	swait.ge [sflag:s3], $0x1000  }
0xb9: {  	[sflag:s3] =	ssyncset.done $0x0  }
0xba: {  	[sflag:s3] =	ssyncadd.s32 $0xFFFFF000  }
0xbb: {  	_ =	sfence.sel $0x180000  }
0xbc: {  	[bflag:$0x0] =	sbarrier.arrive $0xFFFF  }
0xbd: {  	p0 =	sne.s32 s0, $0x0;
	_ =	strace $0x90000047  }
0xbe: {  	s0 =	sadd.s32 @!p0 $0x100000, s1;
	[bflag:$0x2] =	sbarrier.arrive $0xFFFF  }
0xbf: {  	[sflag:s0] =	ssyncadd.tile.s32 @!p0 $0x1;
	_ =	shalt  }
.Lfunc_end2:
_tile_overlayer_lowered:
.L_overlay_start_2:
0xc0: {  	(tag) =	ssettag $0x2  }
0xc1: {  	s0 =	rddreg [dreg:$0x0];
	s2 =	stileid.u32  }
0xc2: {  	s1 =	rddreg [dreg:$0x1];
	p0 =	sne.s32 s2, $0x0  }
0xc3: {  	s3 =	rddreg [dreg:$0x2];
	[bflag:$0x3] =	sbarrier.arrive $0xFFFF;
	s2 =	simm.s32 @!p0 $0x1C07  }
0xc4: {  	[timem:s3], [sflag:s2] =	dma.local @!p0 [hbm:s0], s1  }
0xc5: {  	s0 =	simm.s32 @!p0 $0x7  }
0xc6: {  	_ =	swait.ge @!p0 [sflag:s0], s1  }
0xc7: {  	s1 =	ssub.s32 @!p0 $0x0, s1;
	[sflag:s0] =	ssyncset.done @!p0 $0x0  }
0xc8: {  	[sflag:s0] =	ssyncadd.s32 @!p0 s1  }
0xc9: {  	[bflag:$0x3] =	sbarrier.arrive $0xFFFF  }
0xca: {  	_ =	shalt  }

</sc_bundles>
